<compile_context>
chip_gen: v7x
topology: tpu7x:2x2x1
jax: 0.10.2.dev20260603
libtpu: 0.0.44.dev20260713+nightly
codegen_flags: <defaults>
</compile_context>

<pallas_src>
import functools
import math
import jax
import jax.numpy as jnp
from jax import lax
from jax.experimental import pallas as pl
from jax.experimental.pallas import tpu as pltpu
from jax.experimental.pallas import tpu_sc as plsc

_B, _A, _N, _H, _K = 16, 4, 8192, 64, 32
_R = _B * _A
_NORM = 1.0 / math.sqrt(_H)
_HP = jax.lax.Precision.HIGHEST


def _pass1_body(vs_ref, ve_ref, dead_ref, wq_ref, wk_ref, wv_ref, motw_ref,
                motb_ref, compat_ref, vm_ref, wide_ref):
    vsr = vs_ref[0]
    q = jax.lax.dot(vsr, wq_ref[...])
    qb = q.astype(jnp.bfloat16)
    veb = ve_ref[0]
    wide_ref[...] = jnp.concatenate([veb[:_N // 2], veb[_N // 2:]],
                                    axis=1).astype(jnp.float32)
    kb = jax.lax.dot(veb, wk_ref[...],
                     preferred_element_type=jnp.float32
                     ).astype(jnp.bfloat16)
    c = _NORM * jax.lax.dot_general(qb, kb, (((1,), (1,)), ((), ())),
                                    preferred_element_type=jnp.float32)
    c = jnp.where(dead_ref[0] != 0, -jnp.inf, c)
    compat_ref[0] = c
    m = jnp.max(c)
    e = jnp.exp(c - jnp.maximum(m, -1e30))
    s = jnp.sum(e)
    w = jax.lax.dot(e.astype(jnp.bfloat16), veb,
                    preferred_element_type=jnp.float32)
    inv = jnp.where(s > 0, 1.0 / s, 0.0)
    va = jax.lax.dot(w * inv, wv_ref[...], precision=_HP)
    vm_in = jnp.concatenate([vsr, va], axis=1)
    vm = jax.lax.dot_general(vm_in, motw_ref[...], (((1,), (1,)), ((), ())),
                             precision=_HP) + motb_ref[...]
    vm_ref[0] = jnp.maximum(vm, 0.0)


def _pass1(vs3, ve3, dead3, Wq, Wk, Wv, mot_w, mot_b2):
    return pl.pallas_call(
        _pass1_body,
        grid=(_R,),
        in_specs=[
            pl.BlockSpec((1, 1, _H), lambda r: (r, 0, 0)),
            pl.BlockSpec((1, _N, _H), lambda r: (r, 0, 0)),
            pl.BlockSpec((1, 1, _N), lambda r: (r, 0, 0)),
            pl.BlockSpec((_H, _H), lambda r: (0, 0)),
            pl.BlockSpec((_H, _H), lambda r: (0, 0)),
            pl.BlockSpec((_H, _H), lambda r: (0, 0)),
            pl.BlockSpec((_H, 2 * _H), lambda r: (0, 0)),
            pl.BlockSpec((1, _H), lambda r: (0, 0)),
        ],
        out_specs=[
            pl.BlockSpec((1, 1, _N), lambda r: (r, 0, 0)),
            pl.BlockSpec((1, 1, _H), lambda r: (r, 0, 0)),
            pl.BlockSpec((_N // 2, 2 * _H), lambda r: (r, 0)),
        ],
        out_shape=[
            jax.ShapeDtypeStruct((_R, 1, _N), jnp.float32),
            jax.ShapeDtypeStruct((_R, 1, _H), jnp.float32),
            jax.ShapeDtypeStruct((_R * _N // 2, 2 * _H), jnp.float32),
        ],
    )(vs3, ve3, dead3, Wq, Wk, Wv, mot_w, mot_b2)


_NV = _N // 16
_MAXI = 2**31 - 1
_NEG = float("-inf")


_GD = lax.GatherDimensionNumbers(offset_dims=(), collapsed_slice_dims=(0,),
                                 start_index_map=(0,))


def _lane(x, j):
    return lax.gather(x, jnp.full((16, 1), j, jnp.int32), _GD,
                      slice_sizes=(1,),
                      mode=lax.GatherScatterMode.PROMISE_IN_BOUNDS)


def _topk_row(compat_hbm, ve_hbm, gw_hbm, half_hbm, crow, cvals,
              cidx, tkg, thalf, wide, sem, row):
    pltpu.sync_copy(compat_hbm.at[pl.ds(row * _N, _N)], crow)
    lanes = lax.iota(jnp.int32, 16)
    ninf = jnp.full((16,), _NEG, jnp.float32)
    maxi = jnp.full((16,), _MAXI, jnp.int32)

    def t2_body(i, carry):
        t1, t2 = carry
        v = crow[pl.ds(i * 16, 16)]
        m = v > t1
        hi = jnp.where(m, v, t1)
        lo = jnp.where(m, t1, v)
        return hi, jnp.maximum(t2, lo)

    _, t2 = lax.fori_loop(0, _NV, t2_body, (ninf, ninf))
    srt2, _ = plsc.sort_key_val(t2, t2)
    t = _lane(srt2, 0)

    def comp_body(i, off):
        v = crow[pl.ds(i * 16, 16)]
        mask = v >= t
        pc = plsc.cumsum(mask.astype(jnp.int32))
        pos = jnp.where(mask, off + pc - 1, 0)
        plsc.store_scatter(cvals, [pos], v, mask=mask)
        plsc.store_scatter(cidx, [pos], lanes + i * 16, mask=mask)
        return off + _lane(pc, 15)

    off = lax.fori_loop(0, _NV, comp_body, jnp.zeros((16,), jnp.int32))
    plsc.store_scatter(cvals, [off + lanes], ninf)

    def ext_body(k, _):
        def scan_cond(c):
            return jnp.any(c[0] * 16 < off)

        def scan_step(c):
            j, bv, bi, bp = c
            v = cvals[pl.ds(j * 16, 16)]
            iv = cidx[pl.ds(j * 16, 16)]
            pos = lanes + j * 16
            m = (v > bv) | ((v == bv) & (iv < bi))
            return (j + 1, jnp.where(m, v, bv), jnp.where(m, iv, bi),
                    jnp.where(m, pos, bp))

        _, bv, bi, bp = lax.while_loop(
            scan_cond, scan_step,
            (0, ninf, maxi, jnp.zeros((16,), jnp.int32)))
        srtv, _ = plsc.sort_key_val(bv, bv)
        mval = _lane(srtv, 15)
        ci = jnp.where(bv == mval, bi, maxi)
        srti, _ = plsc.sort_key_val(ci, ci)
        mi = _lane(srti, 0)
        winner = ci == mi
        plsc.store_scatter(cvals, [bp], ninf, mask=winner)
        kvec = jnp.full((16,), 1, jnp.int32) * k
        lane0 = lanes == 0
        plsc.store_scatter(tkg, [kvec],
                           (mi & (_N // 2 - 1)) + row * (_N // 2), mask=lane0)
        plsc.store_scatter(thalf, [kvec], lax.shift_right_logical(mi, 12),
                           mask=lane0)
        return 0

    lax.fori_loop(0, _K, ext_body, 0)
    pltpu.async_copy(ve_hbm.at[tkg], wide, sem).wait()
    pltpu.sync_copy(wide, gw_hbm.at[row])
    pltpu.sync_copy(thalf, half_hbm.at[row])


def _sc_topk_gather(compat, ve2):
    mesh = plsc.VectorSubcoreMesh(core_axis_name="c", subcore_axis_name="s")

    @functools.partial(
        pl.kernel, mesh=mesh,
        compiler_params=pltpu.CompilerParams(needs_layout_passes=False),
        out_type=[
            jax.ShapeDtypeStruct((_R, _K, 2 * _H), jnp.float32),
            jax.ShapeDtypeStruct((_R, _K), jnp.int32),
        ],
        scratch_types=[
            pltpu.VMEM((_N,), jnp.float32),
            pltpu.VMEM((_N + 16,), jnp.float32),
            pltpu.VMEM((_N + 16,), jnp.int32),
            pltpu.VMEM((_K,), jnp.int32),
            pltpu.VMEM((_K,), jnp.int32),
            pltpu.VMEM((_K, 2 * _H), jnp.float32),
            pltpu.SemaphoreType.DMA,
        ],
    )
    def k(compat_hbm, ve_hbm, gw_hbm, half_hbm, crow, cvals, cidx,
          tkg, thalf, wide, sem):
        wid = lax.axis_index("s") * 2 + lax.axis_index("c")
        for rr in range(2):
            _topk_row(compat_hbm, ve_hbm, gw_hbm, half_hbm, crow,
                      cvals, cidx, tkg, thalf, wide, sem, wid * 2 + rr)

    return k(compat, ve2)


def _final_body(vs_ref, gw_ref, hv_ref, fvs_ref, fve_ref, fb_ref, out_ref):
    acc = jax.lax.dot_general(vs_ref[...], fvs_ref[...],
                              (((1,), (1,)), ((), ())), precision=_HP)
    for k in range(_K):
        sel = hv_ref[:, k:k + 1] != 0
        gk = jnp.where(sel, gw_ref[:, k, _H:], gw_ref[:, k, :_H])
        acc = acc + jax.lax.dot(gk, fve_ref[k])
    out_ref[...] = jnp.maximum(acc + fb_ref[...], 0.0)


def _final(vs2, gw, hv, fwd_vs, fwd_ve3, fwd_b2):
    return pl.pallas_call(
        _final_body,
        out_shape=jax.ShapeDtypeStruct((_R, _H), jnp.float32),
    )(vs2, gw, hv, fwd_vs, fwd_ve3, fwd_b2)


def kernel(vs, ve, ve_dead, Wq, Wk, Wv, mot_w, mot_b, fwd_w, fwd_b):
    vs3 = vs.reshape(_R, 1, _H)
    ve3b = ve.astype(jnp.bfloat16).reshape(_R, _N, _H)
    dead3 = ve_dead.reshape(_R, 1, _N).astype(jnp.float32)
    compat3, vm3, wide3 = _pass1(vs3, ve3b, dead3, Wq,
                                 Wk.astype(jnp.bfloat16), Wv, mot_w,
                                 mot_b.reshape(1, _H))
    gw, hv = _sc_topk_gather(compat3.reshape(_R * _N), wide3)

    fwd_ve3 = fwd_w[:, _H:].T.reshape(_K, _H, _H)
    v_C = _final(vs3.reshape(_R, _H), gw, hv, fwd_w[:, :_H], fwd_ve3,
                 fwd_b.reshape(1, _H))
    return (v_C.reshape(_B, _A, _H), vm3.reshape(_B, _A, _H))

# --- scband reference (transcript-rebuilt; emitter-appended) ---
"""Pipeline reference for scband-concentration-61229053772314 (READ-ONLY COPY).

The authoritative reference and input builder live on the scoring server;
editing this copy changes nothing except your own understanding.
"""

import math
import jax, jax.numpy as jnp
import numpy as np

B, A, N, H, NFOCUS = 16, 4, 8192, 64, 32

def _uniform(key, shape):
    stdv = 1.0 / math.sqrt(shape[-1])
    return jax.random.uniform(key, shape, dtype=jnp.float32, minval=-stdv, maxval=stdv)

def setup_inputs(seed: int = 0) -> dict:
    key = jax.random.key(seed)
    ks = jax.random.split(key, 10)
    vs = jax.random.normal(ks[0], (B, A, 1, H), dtype=jnp.float32)
    ve = jax.random.normal(ks[1], (B, A, N, H), dtype=jnp.float32)
    ve_dead = jax.random.randint(ks[2], (B, A, N), 0, 2).astype(bool)
    Wq = _uniform(ks[3], (H, H))
    Wk = _uniform(ks[4], (H, H))
    Wv = _uniform(ks[5], (H, H))
    mot_w = _uniform(ks[6], (H, 2 * H))
    mot_b = _uniform(ks[7], (H,))
    fwd_w = _uniform(ks[8], (H, (NFOCUS + 1) * H))
    fwd_b = _uniform(ks[9], (H,))
    return {"vs": vs, "ve": ve, "ve_dead": ve_dead, "Wq": Wq, "Wk": Wk, "Wv": Wv, "mot_w": mot_w, "mot_b": mot_b, "fwd_w": fwd_w, "fwd_b": fwd_b}

def reference(vs, ve, ve_dead, Wq, Wk, Wv, mot_w, mot_b, fwd_w, fwd_b):
    norm_factor = 1.0 / math.sqrt(H)
    Q = jnp.matmul(vs, Wq)                      # [B,A,1,H]
    K = jnp.matmul(ve, Wk)                      # [B,A,N,H]
    compat = norm_factor * jnp.matmul(Q, jnp.swapaxes(K, 2, 3))  # [B,A,1,N]
    compat = jnp.squeeze(compat, axis=-2)       # [B,A,N]
    compat = jnp.where(ve_dead, -jnp.inf, compat)
    score = jax.nn.softmax(compat, axis=-1)
    score = jnp.nan_to_num(score, nan=0.0)
    Va = jnp.matmul(score[..., None, :], jnp.matmul(ve, Wv))  # [B,A,1,H]
    v_M = jnp.squeeze(jnp.concatenate([vs, Va], axis=-1), axis=-2)  # [B,A,2H]
    v_M_final = jax.nn.relu(jnp.matmul(v_M, mot_w.T) + mot_b)       # [B,A,H]
    # descending argsort, take top n_focus_on indices
    score_sort_drop_index = jnp.argsort(-score, axis=-1)[..., :NFOCUS]  # [B,A,K]
    # gather_righthand: gather rows of ve along dim -2
    ve_C = jnp.take_along_axis(ve, score_sort_drop_index[..., None], axis=2)  # [B,A,K,H]
    v_C_stack = jnp.concatenate([vs, ve_C], axis=-2)  # [B,A,K+1,H]
    v_C_flat = v_C_stack.reshape(v_C_stack.shape[0], v_C_stack.shape[1], -1)
    v_C_final = jax.nn.relu(jnp.matmul(v_C_flat, fwd_w.T) + fwd_b)  # [B,A,H]
    return (v_C_final, v_M_final)

if __name__ == "__main__":
    import jax
    _d = setup_inputs()
    print(jax.jit(kernel)(*tuple(_d.values())))

</pallas_src>

<mosaic_0001>
#map = affine_map<(d0, d1) -> (0)>
#map1 = affine_map<(d0, d1) -> (0, 0)>
#map2 = affine_map<(d0, d1) -> (0, 0, 0)>
module attributes {stable_mosaic.version = 14 : i64} {
  func.func @k(%arg0: i32, %arg1: i32, %arg2: memref<524288xf32, #tpu.memory_space<hbm>>, %arg3: memref<262144x128xf32, #tpu.memory_space<hbm>>, %arg4: memref<64x32x128xf32, #tpu.memory_space<hbm>>, %arg5: memref<64x32xi32, #tpu.memory_space<hbm>>, %arg6: memref<8192xf32, #tpu.memory_space<vmem>>, %arg7: memref<8208xf32, #tpu.memory_space<vmem>>, %arg8: memref<8208xi32, #tpu.memory_space<vmem>>, %arg9: memref<32xi32, #tpu.memory_space<vmem>>, %arg10: memref<32xi32, #tpu.memory_space<vmem>>, %arg11: memref<32x128xf32, #tpu.memory_space<vmem>>, %arg12: memref<!tpu.dma_semaphore, #tpu.memory_space<semaphore_mem>>) attributes {dimension_semantics = [#tpu.dimension_semantics<core_parallel>, #tpu.dimension_semantics<subcore_parallel>], iteration_bounds = array<i64: 2, 16>, scalar_prefetch = 0 : i64, scratch_operands = 7 : i64, tpu.core_type = #tpu.core_type<sc_vector_subcore>, window_params = [{transform_indices = #map}, {transform_indices = #map1}, {transform_indices = #map2}, {transform_indices = #map1}]} {
    %mul3A = arith.constant 2 : i32
    %mul3A_0 = arith.muli %arg1, %mul3A : i32
    %add3A = arith.addi %mul3A_0, %arg0 : i32
    %mul3A_1 = arith.constant 2 : i32
    %mul3A_2 = arith.muli %add3A, %mul3A_1 : i32
    %add3A_3 = arith.constant 0 : i32
    %add3A_4 = arith.addi %mul3A_2, %add3A_3 : i32
    %mul3A_5 = arith.constant 8192 : i32
    %mul3A_6 = arith.muli %add3A_4, %mul3A_5 : i32
    "tpu.region"() ({
      %run_scoped3A = tpu.sem_alloc : memref<!tpu.dma_semaphore, #tpu.memory_space<semaphore_mem>>
      %dma_start3A_88 = tpu.memref_slice %arg2[%mul3A_6] : memref<524288xf32, #tpu.memory_space<hbm>> -> memref<8192xf32, #tpu.memory_space<hbm>>
      %dma_start3A_89 = tpu.memref_slice %arg2[%mul3A_6] : memref<524288xf32, #tpu.memory_space<hbm>> -> memref<8192xf32, #tpu.memory_space<hbm>>
      tpu.enqueue_dma source(%dma_start3A_89 : memref<8192xf32, #tpu.memory_space<hbm>>) target(%arg6 : memref<8192xf32, #tpu.memory_space<vmem>>) target_semaphore(%run_scoped3A : memref<!tpu.dma_semaphore, #tpu.memory_space<semaphore_mem>>)
      %dma_wait3A_90 = tpu.memref_slice %arg2[%mul3A_6] : memref<524288xf32, #tpu.memory_space<hbm>> -> memref<8192xf32, #tpu.memory_space<hbm>>
      %dma_wait3A_91 = tpu.memref_slice %arg2[%mul3A_6] : memref<524288xf32, #tpu.memory_space<hbm>> -> memref<8192xf32, #tpu.memory_space<hbm>>
      tpu.wait_dma2 semaphore(%run_scoped3A : memref<!tpu.dma_semaphore, #tpu.memory_space<semaphore_mem>>) src(%dma_wait3A_91 : memref<8192xf32, #tpu.memory_space<hbm>>) dst(%arg6 : memref<8192xf32, #tpu.memory_space<vmem>>)
      tpu.yield
    }) : () -> ()
    %iota3A = tpu.iota {dimensions = array<i32: 0>} : vector<16xi32>
    %broadcast_in_dim3A = arith.constant 0xFF800000 : f32
    %broadcast_in_dim3A_7 = vector.broadcast %broadcast_in_dim3A : f32 to vector<16xf32>
    %broadcast_in_dim3A_8 = arith.constant 2147483647 : i32
    %broadcast_in_dim3A_9 = vector.broadcast %broadcast_in_dim3A_8 : i32 to vector<16xi32>
    %scan3A = arith.constant 0 : i32
    %scan3A_10 = arith.constant 512 : i32
    %scan3A_11 = arith.addi %scan3A, %scan3A_10 : i32
    %scan3A_12 = arith.constant 1 : i32
    %scan3A_13:2 = scf.for %scan3A_88 = %scan3A to %scan3A_11 step %scan3A_12 iter_args(%scan3A_89 = %broadcast_in_dim3A_7, %scan3A_90 = %broadcast_in_dim3A_7) -> (vector<16xf32>, vector<16xf32>)  : i32 {
      %mul3A_91 = arith.constant 16 : i32
      %mul3A_92 = arith.muli %scan3A_88, %mul3A_91 : i32
      %get3A = arith.index_cast %mul3A_92 : i32 to index
      %get3A_93 = tpu.vector_load %arg6[%get3A] {strides = array<i32>} : memref<8192xf32, #tpu.memory_space<vmem>>, vector<16xf32>,
      %gt3A = arith.cmpf ogt, %get3A_93, %scan3A_89 : vector<16xf32>
      %select_n3A = arith.select %gt3A, %get3A_93, %scan3A_89 : vector<16xi1>, vector<16xf32>
      %select_n3A_94 = arith.select %gt3A, %scan3A_89, %get3A_93 : vector<16xi1>, vector<16xf32>
      %max3A = arith.maximumf %scan3A_90, %select_n3A_94 : vector<16xf32>
      scf.yield %select_n3A, %max3A : vector<16xf32>, vector<16xf32>
    }
    %scan3A_14 = arith.constant 512 : i32
    %masked_sort3A = arith.constant dense<true> : vector<16xi1>
    %masked_sort3A_15, %masked_sort3A_16, %masked_sort3A_17 = tpu.sort %scan3A_13#1, %scan3A_13#1 masked %masked_sort3A : (vector<16xf32>, vector<16xf32>, vector<16xi1>) -> (vector<16xi1>, vector<16xf32>, vector<16xf32>)
    %broadcast_in_dim3A_18 = arith.constant 0 : i32
    %broadcast_in_dim3A_19 = vector.broadcast %broadcast_in_dim3A_18 : i32 to vector<16x1xi32>
    %gather3A = vector.shape_cast %broadcast_in_dim3A_19 : vector<16x1xi32> to vector<16xi32>
    %gather3A_20 = tpu.dynamic_gather %masked_sort3A_16[%gather3A] in [0] : vector<16xf32>, vector<16xi32> -> vector<16xf32>
    %broadcast_in_dim3A_21 = arith.constant 0 : i32
    %broadcast_in_dim3A_22 = vector.broadcast %broadcast_in_dim3A_21 : i32 to vector<16xi32>
    %scan3A_23 = arith.constant 0 : i32
    %scan3A_24 = arith.constant 512 : i32
    %scan3A_25 = arith.addi %scan3A_23, %scan3A_24 : i32
    %scan3A_26 = arith.constant 1 : i32
    %scan3A_27 = scf.for %scan3A_88 = %scan3A_23 to %scan3A_25 step %scan3A_26 iter_args(%scan3A_89 = %broadcast_in_dim3A_22) -> (vector<16xi32>)  : i32 {
      %mul3A_90 = arith.constant 16 : i32
      %mul3A_91 = arith.muli %scan3A_88, %mul3A_90 : i32
      %get3A = arith.index_cast %mul3A_91 : i32 to index
      %get3A_92 = tpu.vector_load %arg6[%get3A] {strides = array<i32>} : memref<8192xf32, #tpu.memory_space<vmem>>, vector<16xf32>,
      %ge3A = arith.cmpf oge, %get3A_92, %gather3A_20 : vector<16xf32>
      %convert_element_type3A = arith.extui %ge3A : vector<16xi1> to vector<16xi32>
      %broadcast_in_dim3A_93 = arith.constant true
      %broadcast_in_dim3A_94 = vector.broadcast %broadcast_in_dim3A_93 : i1 to vector<16xi1>
      %masked_cumsum3A = tpu.scan <sum>, %convert_element_type3A masked %broadcast_in_dim3A_94 : vector<16xi32>, vector<16xi1> -> vector<16xi32>
      %add3A_95 = arith.addi %scan3A_89, %masked_cumsum3A : vector<16xi32>
      %sub3A = arith.constant 1 : i32
      %sub3A_96 = vector.broadcast %sub3A : i32 to vector<16xi32>
      %sub3A_97 = arith.subi %add3A_95, %sub3A_96 : vector<16xi32>
      %jit3A = arith.constant 0 : i32
      %broadcast_in_dim3A_98 = vector.broadcast %jit3A : i32 to vector<16xi32>
      %select_n3A = arith.select %ge3A, %sub3A_97, %broadcast_in_dim3A_98 : vector<16xi1>, vector<16xi32>
      tpu.vector_store_idx %arg7[%select_n3A], %get3A_92 masked %ge3A : memref<8208xf32, #tpu.memory_space<vmem>>[vector<16xi32>], vector<16xf32>, vector<16xi1>
      %mul3A_99 = arith.constant 16 : i32
      %mul3A_100 = arith.muli %scan3A_88, %mul3A_99 : i32
      %add3A_101 = vector.broadcast %mul3A_100 : i32 to vector<16xi32>
      %add3A_102 = arith.addi %iota3A, %add3A_101 : vector<16xi32>
      tpu.vector_store_idx %arg8[%select_n3A], %add3A_102 masked %ge3A : memref<8208xi32, #tpu.memory_space<vmem>>[vector<16xi32>], vector<16xi32>, vector<16xi1>
      %broadcast_in_dim3A_103 = arith.constant 15 : i32
      %broadcast_in_dim3A_104 = vector.broadcast %broadcast_in_dim3A_103 : i32 to vector<16x1xi32>
      %gather3A_105 = vector.shape_cast %broadcast_in_dim3A_104 : vector<16x1xi32> to vector<16xi32>
      %gather3A_106 = tpu.dynamic_gather %masked_cumsum3A[%gather3A_105] in [0] : vector<16xi32>, vector<16xi32> -> vector<16xi32>
      %add3A_107 = arith.addi %scan3A_89, %gather3A_106 : vector<16xi32>
      scf.yield %add3A_107 : vector<16xi32>
    }
    %scan3A_28 = arith.constant 512 : i32
    %add3A_29 = arith.addi %scan3A_27, %iota3A : vector<16xi32>
    tpu.vector_store_idx %arg7[%add3A_29], %broadcast_in_dim3A_7 : memref<8208xf32, #tpu.memory_space<vmem>>[vector<16xi32>], vector<16xf32>,
    %scan3A_30 = arith.constant 0 : i32
    %scan3A_31 = arith.constant 0 : i32
    %scan3A_32 = arith.constant 32 : i32
    %scan3A_33 = arith.addi %scan3A_31, %scan3A_32 : i32
    %scan3A_34 = arith.constant 1 : i32
    %scan3A_35 = scf.for %scan3A_88 = %scan3A_31 to %scan3A_33 step %scan3A_34 iter_args(%scan3A_89 = %scan3A_30) -> (i32)  : i32 {
      %broadcast_in_dim3A_90 = arith.constant 0 : i32
      %broadcast_in_dim3A_91 = vector.broadcast %broadcast_in_dim3A_90 : i32 to vector<16xi32>
      %while3A = arith.constant 0 : i32
      %while3A_92:4 = scf.while (%while3A_130 = %while3A, %while3A_131 = %broadcast_in_dim3A_7, %while3A_132 = %broadcast_in_dim3A_9, %while3A_133 = %broadcast_in_dim3A_91) : (i32, vector<16xf32>, vector<16xi32>, vector<16xi32>) -> (i32, vector<16xf32>, vector<16xi32>, vector<16xi32>) {
        %mul3A_134 = arith.constant 16 : i32
        %mul3A_135 = arith.muli %while3A_130, %mul3A_134 : i32
        %lt3A = vector.broadcast %mul3A_135 : i32 to vector<16xi32>
        %lt3A_136 = arith.cmpi slt, %lt3A, %scan3A_27 : vector<16xi32>
        %reduce_or3A = arith.constant 1.000000e+00 : f32
        %reduce_or3A_137 = arith.constant 0.000000e+00 : f32
        %reduce_or3A_138 = vector.broadcast %reduce_or3A : f32 to vector<16xf32>
        %reduce_or3A_139 = vector.broadcast %reduce_or3A_137 : f32 to vector<16xf32>
        %reduce_or3A_140 = arith.select %lt3A_136, %reduce_or3A_138, %reduce_or3A_139 : vector<16xi1>, vector<16xf32>
        %reduce_or3A_141 = arith.constant true
        %reduce_or3A_142 = vector.broadcast %reduce_or3A_141 : i1 to vector<16xi1>
        %reduce_or3A_143 = tpu.scan <max>, %reduce_or3A_140 masked %reduce_or3A_142 : vector<16xf32>, vector<16xi1> -> vector<16xf32>
        %reduce_or3A_144 = vector.extract %reduce_or3A_143[15] : f32 from vector<16xf32>
        %reduce_or3A_145 = arith.constant 0.000000e+00 : f32
        %reduce_or3A_146 = arith.cmpf ogt, %reduce_or3A_144, %reduce_or3A_145 : f32
        scf.condition(%reduce_or3A_146) %while3A_130, %while3A_131, %while3A_132, %while3A_133 : i32, vector<16xf32>, vector<16xi32>, vector<16xi32>
      } do {
      ^bb0(%while3A_130: i32, %while3A_131: vector<16xf32>, %while3A_132: vector<16xi32>, %while3A_133: vector<16xi32>):
        %mul3A_134 = arith.constant 16 : i32
        %mul3A_135 = arith.muli %while3A_130, %mul3A_134 : i32
        %get3A = arith.index_cast %mul3A_135 : i32 to index
        %get3A_136 = tpu.vector_load %arg7[%get3A] {strides = array<i32>} : memref<8208xf32, #tpu.memory_space<vmem>>, vector<16xf32>,
        %mul3A_137 = arith.constant 16 : i32
        %mul3A_138 = arith.muli %while3A_130, %mul3A_137 : i32
        %get3A_139 = arith.index_cast %mul3A_138 : i32 to index
        %get3A_140 = tpu.vector_load %arg8[%get3A_139] {strides = array<i32>} : memref<8208xi32, #tpu.memory_space<vmem>>, vector<16xi32>,
        %mul3A_141 = arith.constant 16 : i32
        %mul3A_142 = arith.muli %while3A_130, %mul3A_141 : i32
        %add3A_143 = vector.broadcast %mul3A_142 : i32 to vector<16xi32>
        %add3A_144 = arith.addi %iota3A, %add3A_143 : vector<16xi32>
        %gt3A = arith.cmpf ogt, %get3A_136, %while3A_131 : vector<16xf32>
        %eq3A_145 = arith.cmpf oeq, %get3A_136, %while3A_131 : vector<16xf32>
        %lt3A = arith.cmpi slt, %get3A_140, %while3A_132 : vector<16xi32>
        %and3A_146 = arith.andi %eq3A_145, %lt3A : vector<16xi1>
        %or3A = arith.ori %gt3A, %and3A_146 : vector<16xi1>
        %add3A_147 = arith.constant 1 : i32
        %add3A_148 = arith.addi %while3A_130, %add3A_147 : i32
        %select_n3A_149 = arith.select %or3A, %get3A_136, %while3A_131 : vector<16xi1>, vector<16xf32>
        %select_n3A_150 = arith.select %or3A, %get3A_140, %while3A_132 : vector<16xi1>, vector<16xi32>
        %select_n3A_151 = arith.select %or3A, %add3A_144, %while3A_133 : vector<16xi1>, vector<16xi32>
        scf.yield %add3A_148, %select_n3A_149, %select_n3A_150, %select_n3A_151 : i32, vector<16xf32>, vector<16xi32>, vector<16xi32>
      }
      %masked_sort3A_93 = arith.constant dense<true> : vector<16xi1>
      %masked_sort3A_94, %masked_sort3A_95, %masked_sort3A_96 = tpu.sort %while3A_92#1, %while3A_92#1 masked %masked_sort3A_93 : (vector<16xf32>, vector<16xf32>, vector<16xi1>) -> (vector<16xi1>, vector<16xf32>, vector<16xf32>)
      %broadcast_in_dim3A_97 = arith.constant 15 : i32
      %broadcast_in_dim3A_98 = vector.broadcast %broadcast_in_dim3A_97 : i32 to vector<16x1xi32>
      %gather3A_99 = vector.shape_cast %broadcast_in_dim3A_98 : vector<16x1xi32> to vector<16xi32>
      %gather3A_100 = tpu.dynamic_gather %masked_sort3A_95[%gather3A_99] in [0] : vector<16xf32>, vector<16xi32> -> vector<16xf32>
      %eq3A = arith.cmpf oeq, %while3A_92#1, %gather3A_100 : vector<16xf32>
      %select_n3A = arith.select %eq3A, %while3A_92#2, %broadcast_in_dim3A_9 : vector<16xi1>, vector<16xi32>
      %masked_sort3A_101 = arith.constant dense<true> : vector<16xi1>
      %masked_sort3A_102 = arith.constant -2147483648 : i32
      %masked_sort3A_103 = vector.broadcast %masked_sort3A_102 : i32 to vector<16xi32>
      %masked_sort3A_104 = arith.xori %select_n3A, %masked_sort3A_103 : vector<16xi32>
      %masked_sort3A_105, %masked_sort3A_106, %masked_sort3A_107 = tpu.sort %masked_sort3A_104, %select_n3A masked %masked_sort3A_101 : (vector<16xi32>, vector<16xi32>, vector<16xi1>) -> (vector<16xi1>, vector<16xi32>, vector<16xi32>)
      %masked_sort3A_108 = arith.xori %masked_sort3A_106, %masked_sort3A_103 : vector<16xi32>
      %broadcast_in_dim3A_109 = arith.constant 0 : i32
      %broadcast_in_dim3A_110 = vector.broadcast %broadcast_in_dim3A_109 : i32 to vector<16x1xi32>
      %gather3A_111 = vector.shape_cast %broadcast_in_dim3A_110 : vector<16x1xi32> to vector<16xi32>
      %gather3A_112 = tpu.dynamic_gather %masked_sort3A_108[%gather3A_111] in [0] : vector<16xi32>, vector<16xi32> -> vector<16xi32>
      %eq3A_113 = arith.cmpi eq, %select_n3A, %gather3A_112 : vector<16xi32>
      tpu.vector_store_idx %arg7[%while3A_92#3], %broadcast_in_dim3A_7 masked %eq3A_113 : memref<8208xf32, #tpu.memory_space<vmem>>[vector<16xi32>], vector<16xf32>, vector<16xi1>
      %broadcast_in_dim3A_114 = arith.constant 1 : i32
      %broadcast_in_dim3A_115 = vector.broadcast %broadcast_in_dim3A_114 : i32 to vector<16xi32>
      %mul3A_116 = vector.broadcast %scan3A_88 : i32 to vector<16xi32>
      %mul3A_117 = arith.muli %broadcast_in_dim3A_115, %mul3A_116 : vector<16xi32>
      %eq3A_118 = arith.constant 0 : i32
      %eq3A_119 = vector.broadcast %eq3A_118 : i32 to vector<16xi32>
      %eq3A_120 = arith.cmpi eq, %iota3A, %eq3A_119 : vector<16xi32>
      %and3A = arith.constant 4095 : i32
      %and3A_121 = vector.broadcast %and3A : i32 to vector<16xi32>
      %and3A_122 = arith.andi %gather3A_112, %and3A_121 : vector<16xi32>
      %mul3A_123 = arith.constant 4096 : i32
      %mul3A_124 = arith.muli %add3A_4, %mul3A_123 : i32
      %add3A_125 = vector.broadcast %mul3A_124 : i32 to vector<16xi32>
      %add3A_126 = arith.addi %and3A_122, %add3A_125 : vector<16xi32>
      tpu.vector_store_idx %arg9[%mul3A_117], %add3A_126 masked %eq3A_120 : memref<32xi32, #tpu.memory_space<vmem>>[vector<16xi32>], vector<16xi32>, vector<16xi1>
      %shift_right_logical3A = arith.constant 12 : i32
      %shift_right_logical3A_127 = vector.broadcast %shift_right_logical3A : i32 to vector<16xi32>
      %shift_right_logical3A_128 = arith.shrui %gather3A_112, %shift_right_logical3A_127 : vector<16xi32>
      tpu.vector_store_idx %arg10[%mul3A_117], %shift_right_logical3A_128 masked %eq3A_120 : memref<32xi32, #tpu.memory_space<vmem>>[vector<16xi32>], vector<16xi32>, vector<16xi1>
      %scan3A_129 = arith.constant 0 : i32
      scf.yield %scan3A_129 : i32
    }
    %scan3A_36 = arith.constant 32 : i32
    %dma_start3A = arith.constant 0 : i32
    %dma_start3A_37 = arith.constant 0 : i32
    %dma_start3A_38 = tpu.memref_slice %arg3[%dma_start3A, %dma_start3A_37] : memref<262144x128xf32, #tpu.memory_space<hbm>> -> memref<262144x128xf32, #tpu.memory_space<hbm>>
    tpu.enqueue_indirect_dma source(%dma_start3A_38 : memref<262144x128xf32, #tpu.memory_space<hbm>>) target(%arg11 : memref<32x128xf32, #tpu.memory_space<vmem>>) offsets(%arg9 : memref<32xi32, #tpu.memory_space<vmem>>) semaphore(%arg12 : memref<!tpu.dma_semaphore, #tpu.memory_space<semaphore_mem>>)
    %dma_wait3A = arith.constant 0 : i32
    %dma_wait3A_39 = arith.constant 0 : i32
    %dma_wait3A_40 = tpu.memref_slice %arg3[%dma_wait3A, %dma_wait3A_39] : memref<262144x128xf32, #tpu.memory_space<hbm>> -> memref<262144x128xf32, #tpu.memory_space<hbm>>
    tpu.wait_indirect_dma semaphore(%arg12 : memref<!tpu.dma_semaphore, #tpu.memory_space<semaphore_mem>>) src(%dma_wait3A_40 : memref<262144x128xf32, #tpu.memory_space<hbm>>) dst(%arg11 : memref<32x128xf32, #tpu.memory_space<vmem>>)
    "tpu.region"() ({
      %run_scoped3A = tpu.sem_alloc : memref<!tpu.dma_semaphore, #tpu.memory_space<semaphore_mem>>
      %dma_start3A_88 = arith.constant 0 : i32
      %dma_start3A_89 = arith.constant 0 : i32
      %dma_start3A_90 = tpu.memref_slice %arg4[%add3A_4, %dma_start3A_88, %dma_start3A_89] : memref<64x32x128xf32, #tpu.memory_space<hbm>> -> memref<1x32x128xf32, #tpu.memory_space<hbm>>
      %dma_start3A_91 = tpu.memref_squeeze %dma_start3A_90 : memref<1x32x128xf32, #tpu.memory_space<hbm>> -> memref<32x128xf32, #tpu.memory_space<hbm>>
      %dma_start3A_92 = arith.constant 0 : i32
      %dma_start3A_93 = arith.constant 0 : i32
      %dma_start3A_94 = tpu.memref_slice %arg4[%add3A_4, %dma_start3A_92, %dma_start3A_93] : memref<64x32x128xf32, #tpu.memory_space<hbm>> -> memref<1x32x128xf32, #tpu.memory_space<hbm>>
      %dma_start3A_95 = tpu.memref_squeeze %dma_start3A_94 : memref<1x32x128xf32, #tpu.memory_space<hbm>> -> memref<32x128xf32, #tpu.memory_space<hbm>>
      tpu.enqueue_dma source(%arg11 : memref<32x128xf32, #tpu.memory_space<vmem>>) target(%dma_start3A_95 : memref<32x128xf32, #tpu.memory_space<hbm>>) target_semaphore(%run_scoped3A : memref<!tpu.dma_semaphore, #tpu.memory_space<semaphore_mem>>)
      %dma_wait3A_96 = arith.constant 0 : i32
      %dma_wait3A_97 = arith.constant 0 : i32
      %dma_wait3A_98 = tpu.memref_slice %arg4[%add3A_4, %dma_wait3A_96, %dma_wait3A_97] : memref<64x32x128xf32, #tpu.memory_space<hbm>> -> memref<1x32x128xf32, #tpu.memory_space<hbm>>
      %dma_wait3A_99 = tpu.memref_squeeze %dma_wait3A_98 : memref<1x32x128xf32, #tpu.memory_space<hbm>> -> memref<32x128xf32, #tpu.memory_space<hbm>>
      %dma_wait3A_100 = arith.constant 0 : i32
      %dma_wait3A_101 = arith.constant 0 : i32
      %dma_wait3A_102 = tpu.memref_slice %arg4[%add3A_4, %dma_wait3A_100, %dma_wait3A_101] : memref<64x32x128xf32, #tpu.memory_space<hbm>> -> memref<1x32x128xf32, #tpu.memory_space<hbm>>
      %dma_wait3A_103 = tpu.memref_squeeze %dma_wait3A_102 : memref<1x32x128xf32, #tpu.memory_space<hbm>> -> memref<32x128xf32, #tpu.memory_space<hbm>>
      tpu.wait_dma2 semaphore(%run_scoped3A : memref<!tpu.dma_semaphore, #tpu.memory_space<semaphore_mem>>) src(%arg11 : memref<32x128xf32, #tpu.memory_space<vmem>>) dst(%dma_wait3A_103 : memref<32x128xf32, #tpu.memory_space<hbm>>)
      tpu.yield
    }) : () -> ()
    "tpu.region"() ({
      %run_scoped3A = tpu.sem_alloc : memref<!tpu.dma_semaphore, #tpu.memory_space<semaphore_mem>>
      %dma_start3A_88 = arith.constant 0 : i32
      %dma_start3A_89 = tpu.memref_slice %arg5[%add3A_4, %dma_start3A_88] : memref<64x32xi32, #tpu.memory_space<hbm>> -> memref<1x32xi32, #tpu.memory_space<hbm>>
      %dma_start3A_90 = tpu.memref_squeeze %dma_start3A_89 : memref<1x32xi32, #tpu.memory_space<hbm>> -> memref<32xi32, #tpu.memory_space<hbm>>
      %dma_start3A_91 = arith.constant 0 : i32
      %dma_start3A_92 = tpu.memref_slice %arg5[%add3A_4, %dma_start3A_91] : memref<64x32xi32, #tpu.memory_space<hbm>> -> memref<1x32xi32, #tpu.memory_space<hbm>>
      %dma_start3A_93 = tpu.memref_squeeze %dma_start3A_92 : memref<1x32xi32, #tpu.memory_space<hbm>> -> memref<32xi32, #tpu.memory_space<hbm>>
      tpu.enqueue_dma source(%arg10 : memref<32xi32, #tpu.memory_space<vmem>>) target(%dma_start3A_93 : memref<32xi32, #tpu.memory_space<hbm>>) target_semaphore(%run_scoped3A : memref<!tpu.dma_semaphore, #tpu.memory_space<semaphore_mem>>)
      %dma_wait3A_94 = arith.constant 0 : i32
      %dma_wait3A_95 = tpu.memref_slice %arg5[%add3A_4, %dma_wait3A_94] : memref<64x32xi32, #tpu.memory_space<hbm>> -> memref<1x32xi32, #tpu.memory_space<hbm>>
      %dma_wait3A_96 = tpu.memref_squeeze %dma_wait3A_95 : memref<1x32xi32, #tpu.memory_space<hbm>> -> memref<32xi32, #tpu.memory_space<hbm>>
      %dma_wait3A_97 = arith.constant 0 : i32
      %dma_wait3A_98 = tpu.memref_slice %arg5[%add3A_4, %dma_wait3A_97] : memref<64x32xi32, #tpu.memory_space<hbm>> -> memref<1x32xi32, #tpu.memory_space<hbm>>
      %dma_wait3A_99 = tpu.memref_squeeze %dma_wait3A_98 : memref<1x32xi32, #tpu.memory_space<hbm>> -> memref<32xi32, #tpu.memory_space<hbm>>
      tpu.wait_dma2 semaphore(%run_scoped3A : memref<!tpu.dma_semaphore, #tpu.memory_space<semaphore_mem>>) src(%arg10 : memref<32xi32, #tpu.memory_space<vmem>>) dst(%dma_wait3A_99 : memref<32xi32, #tpu.memory_space<hbm>>)
      tpu.yield
    }) : () -> ()
    %mul3A_41 = arith.constant 2 : i32
    %mul3A_42 = arith.muli %add3A, %mul3A_41 : i32
    %add3A_43 = arith.constant 1 : i32
    %add3A_44 = arith.addi %mul3A_42, %add3A_43 : i32
    %mul3A_45 = arith.constant 8192 : i32
    %mul3A_46 = arith.muli %add3A_44, %mul3A_45 : i32
    "tpu.region"() ({
      %run_scoped3A = tpu.sem_alloc : memref<!tpu.dma_semaphore, #tpu.memory_space<semaphore_mem>>
      %dma_start3A_88 = tpu.memref_slice %arg2[%mul3A_46] : memref<524288xf32, #tpu.memory_space<hbm>> -> memref<8192xf32, #tpu.memory_space<hbm>>
      %dma_start3A_89 = tpu.memref_slice %arg2[%mul3A_46] : memref<524288xf32, #tpu.memory_space<hbm>> -> memref<8192xf32, #tpu.memory_space<hbm>>
      tpu.enqueue_dma source(%dma_start3A_89 : memref<8192xf32, #tpu.memory_space<hbm>>) target(%arg6 : memref<8192xf32, #tpu.memory_space<vmem>>) target_semaphore(%run_scoped3A : memref<!tpu.dma_semaphore, #tpu.memory_space<semaphore_mem>>)
      %dma_wait3A_90 = tpu.memref_slice %arg2[%mul3A_46] : memref<524288xf32, #tpu.memory_space<hbm>> -> memref<8192xf32, #tpu.memory_space<hbm>>
      %dma_wait3A_91 = tpu.memref_slice %arg2[%mul3A_46] : memref<524288xf32, #tpu.memory_space<hbm>> -> memref<8192xf32, #tpu.memory_space<hbm>>
      tpu.wait_dma2 semaphore(%run_scoped3A : memref<!tpu.dma_semaphore, #tpu.memory_space<semaphore_mem>>) src(%dma_wait3A_91 : memref<8192xf32, #tpu.memory_space<hbm>>) dst(%arg6 : memref<8192xf32, #tpu.memory_space<vmem>>)
      tpu.yield
    }) : () -> ()
    %iota3A_47 = tpu.iota {dimensions = array<i32: 0>} : vector<16xi32>
    %broadcast_in_dim3A_48 = arith.constant 0xFF800000 : f32
    %broadcast_in_dim3A_49 = vector.broadcast %broadcast_in_dim3A_48 : f32 to vector<16xf32>
    %broadcast_in_dim3A_50 = arith.constant 2147483647 : i32
    %broadcast_in_dim3A_51 = vector.broadcast %broadcast_in_dim3A_50 : i32 to vector<16xi32>
    %scan3A_52 = arith.constant 0 : i32
    %scan3A_53 = arith.constant 512 : i32
    %scan3A_54 = arith.addi %scan3A_52, %scan3A_53 : i32
    %scan3A_55 = arith.constant 1 : i32
    %scan3A_56:2 = scf.for %scan3A_88 = %scan3A_52 to %scan3A_54 step %scan3A_55 iter_args(%scan3A_89 = %broadcast_in_dim3A_49, %scan3A_90 = %broadcast_in_dim3A_49) -> (vector<16xf32>, vector<16xf32>)  : i32 {
      %mul3A_91 = arith.constant 16 : i32
      %mul3A_92 = arith.muli %scan3A_88, %mul3A_91 : i32
      %get3A = arith.index_cast %mul3A_92 : i32 to index
      %get3A_93 = tpu.vector_load %arg6[%get3A] {strides = array<i32>} : memref<8192xf32, #tpu.memory_space<vmem>>, vector<16xf32>,
      %gt3A = arith.cmpf ogt, %get3A_93, %scan3A_89 : vector<16xf32>
      %select_n3A = arith.select %gt3A, %get3A_93, %scan3A_89 : vector<16xi1>, vector<16xf32>
      %select_n3A_94 = arith.select %gt3A, %scan3A_89, %get3A_93 : vector<16xi1>, vector<16xf32>
      %max3A = arith.maximumf %scan3A_90, %select_n3A_94 : vector<16xf32>
      scf.yield %select_n3A, %max3A : vector<16xf32>, vector<16xf32>
    }
    %scan3A_57 = arith.constant 512 : i32
    %masked_sort3A_58 = arith.constant dense<true> : vector<16xi1>
    %masked_sort3A_59, %masked_sort3A_60, %masked_sort3A_61 = tpu.sort %scan3A_56#1, %scan3A_56#1 masked %masked_sort3A_58 : (vector<16xf32>, vector<16xf32>, vector<16xi1>) -> (vector<16xi1>, vector<16xf32>, vector<16xf32>)
    %broadcast_in_dim3A_62 = arith.constant 0 : i32
    %broadcast_in_dim3A_63 = vector.broadcast %broadcast_in_dim3A_62 : i32 to vector<16x1xi32>
    %gather3A_64 = vector.shape_cast %broadcast_in_dim3A_63 : vector<16x1xi32> to vector<16xi32>
    %gather3A_65 = tpu.dynamic_gather %masked_sort3A_60[%gather3A_64] in [0] : vector<16xf32>, vector<16xi32> -> vector<16xf32>
    %broadcast_in_dim3A_66 = arith.constant 0 : i32
    %broadcast_in_dim3A_67 = vector.broadcast %broadcast_in_dim3A_66 : i32 to vector<16xi32>
    %scan3A_68 = arith.constant 0 : i32
    %scan3A_69 = arith.constant 512 : i32
    %scan3A_70 = arith.addi %scan3A_68, %scan3A_69 : i32
    %scan3A_71 = arith.constant 1 : i32
    %scan3A_72 = scf.for %scan3A_88 = %scan3A_68 to %scan3A_70 step %scan3A_71 iter_args(%scan3A_89 = %broadcast_in_dim3A_67) -> (vector<16xi32>)  : i32 {
      %mul3A_90 = arith.constant 16 : i32
      %mul3A_91 = arith.muli %scan3A_88, %mul3A_90 : i32
      %get3A = arith.index_cast %mul3A_91 : i32 to index
      %get3A_92 = tpu.vector_load %arg6[%get3A] {strides = array<i32>} : memref<8192xf32, #tpu.memory_space<vmem>>, vector<16xf32>,
      %ge3A = arith.cmpf oge, %get3A_92, %gather3A_65 : vector<16xf32>
      %convert_element_type3A = arith.extui %ge3A : vector<16xi1> to vector<16xi32>
      %broadcast_in_dim3A_93 = arith.constant true
      %broadcast_in_dim3A_94 = vector.broadcast %broadcast_in_dim3A_93 : i1 to vector<16xi1>
      %masked_cumsum3A = tpu.scan <sum>, %convert_element_type3A masked %broadcast_in_dim3A_94 : vector<16xi32>, vector<16xi1> -> vector<16xi32>
      %add3A_95 = arith.addi %scan3A_89, %masked_cumsum3A : vector<16xi32>
      %sub3A = arith.constant 1 : i32
      %sub3A_96 = vector.broadcast %sub3A : i32 to vector<16xi32>
      %sub3A_97 = arith.subi %add3A_95, %sub3A_96 : vector<16xi32>
      %jit3A = arith.constant 0 : i32
      %broadcast_in_dim3A_98 = vector.broadcast %jit3A : i32 to vector<16xi32>
      %select_n3A = arith.select %ge3A, %sub3A_97, %broadcast_in_dim3A_98 : vector<16xi1>, vector<16xi32>
      tpu.vector_store_idx %arg7[%select_n3A], %get3A_92 masked %ge3A : memref<8208xf32, #tpu.memory_space<vmem>>[vector<16xi32>], vector<16xf32>, vector<16xi1>
      %mul3A_99 = arith.constant 16 : i32
      %mul3A_100 = arith.muli %scan3A_88, %mul3A_99 : i32
      %add3A_101 = vector.broadcast %mul3A_100 : i32 to vector<16xi32>
      %add3A_102 = arith.addi %iota3A_47, %add3A_101 : vector<16xi32>
      tpu.vector_store_idx %arg8[%select_n3A], %add3A_102 masked %ge3A : memref<8208xi32, #tpu.memory_space<vmem>>[vector<16xi32>], vector<16xi32>, vector<16xi1>
      %broadcast_in_dim3A_103 = arith.constant 15 : i32
      %broadcast_in_dim3A_104 = vector.broadcast %broadcast_in_dim3A_103 : i32 to vector<16x1xi32>
      %gather3A_105 = vector.shape_cast %broadcast_in_dim3A_104 : vector<16x1xi32> to vector<16xi32>
      %gather3A_106 = tpu.dynamic_gather %masked_cumsum3A[%gather3A_105] in [0] : vector<16xi32>, vector<16xi32> -> vector<16xi32>
      %add3A_107 = arith.addi %scan3A_89, %gather3A_106 : vector<16xi32>
      scf.yield %add3A_107 : vector<16xi32>
    }
    %scan3A_73 = arith.constant 512 : i32
    %add3A_74 = arith.addi %scan3A_72, %iota3A_47 : vector<16xi32>
    tpu.vector_store_idx %arg7[%add3A_74], %broadcast_in_dim3A_49 : memref<8208xf32, #tpu.memory_space<vmem>>[vector<16xi32>], vector<16xf32>,
    %scan3A_75 = arith.constant 0 : i32
    %scan3A_76 = arith.constant 0 : i32
    %scan3A_77 = arith.constant 32 : i32
    %scan3A_78 = arith.addi %scan3A_76, %scan3A_77 : i32
    %scan3A_79 = arith.constant 1 : i32
    %scan3A_80 = scf.for %scan3A_88 = %scan3A_76 to %scan3A_78 step %scan3A_79 iter_args(%scan3A_89 = %scan3A_75) -> (i32)  : i32 {
      %broadcast_in_dim3A_90 = arith.constant 0 : i32
      %broadcast_in_dim3A_91 = vector.broadcast %broadcast_in_dim3A_90 : i32 to vector<16xi32>
      %while3A = arith.constant 0 : i32
      %while3A_92:4 = scf.while (%while3A_130 = %while3A, %while3A_131 = %broadcast_in_dim3A_49, %while3A_132 = %broadcast_in_dim3A_51, %while3A_133 = %broadcast_in_dim3A_91) : (i32, vector<16xf32>, vector<16xi32>, vector<16xi32>) -> (i32, vector<16xf32>, vector<16xi32>, vector<16xi32>) {
        %mul3A_134 = arith.constant 16 : i32
        %mul3A_135 = arith.muli %while3A_130, %mul3A_134 : i32
        %lt3A = vector.broadcast %mul3A_135 : i32 to vector<16xi32>
        %lt3A_136 = arith.cmpi slt, %lt3A, %scan3A_72 : vector<16xi32>
        %reduce_or3A = arith.constant 1.000000e+00 : f32
        %reduce_or3A_137 = arith.constant 0.000000e+00 : f32
        %reduce_or3A_138 = vector.broadcast %reduce_or3A : f32 to vector<16xf32>
        %reduce_or3A_139 = vector.broadcast %reduce_or3A_137 : f32 to vector<16xf32>
        %reduce_or3A_140 = arith.select %lt3A_136, %reduce_or3A_138, %reduce_or3A_139 : vector<16xi1>, vector<16xf32>
        %reduce_or3A_141 = arith.constant true
        %reduce_or3A_142 = vector.broadcast %reduce_or3A_141 : i1 to vector<16xi1>
        %reduce_or3A_143 = tpu.scan <max>, %reduce_or3A_140 masked %reduce_or3A_142 : vector<16xf32>, vector<16xi1> -> vector<16xf32>
        %reduce_or3A_144 = vector.extract %reduce_or3A_143[15] : f32 from vector<16xf32>
        %reduce_or3A_145 = arith.constant 0.000000e+00 : f32
        %reduce_or3A_146 = arith.cmpf ogt, %reduce_or3A_144, %reduce_or3A_145 : f32
        scf.condition(%reduce_or3A_146) %while3A_130, %while3A_131, %while3A_132, %while3A_133 : i32, vector<16xf32>, vector<16xi32>, vector<16xi32>
      } do {
      ^bb0(%while3A_130: i32, %while3A_131: vector<16xf32>, %while3A_132: vector<16xi32>, %while3A_133: vector<16xi32>):
        %mul3A_134 = arith.constant 16 : i32
        %mul3A_135 = arith.muli %while3A_130, %mul3A_134 : i32
        %get3A = arith.index_cast %mul3A_135 : i32 to index
        %get3A_136 = tpu.vector_load %arg7[%get3A] {strides = array<i32>} : memref<8208xf32, #tpu.memory_space<vmem>>, vector<16xf32>,
        %mul3A_137 = arith.constant 16 : i32
        %mul3A_138 = arith.muli %while3A_130, %mul3A_137 : i32
        %get3A_139 = arith.index_cast %mul3A_138 : i32 to index
        %get3A_140 = tpu.vector_load %arg8[%get3A_139] {strides = array<i32>} : memref<8208xi32, #tpu.memory_space<vmem>>, vector<16xi32>,
        %mul3A_141 = arith.constant 16 : i32
        %mul3A_142 = arith.muli %while3A_130, %mul3A_141 : i32
        %add3A_143 = vector.broadcast %mul3A_142 : i32 to vector<16xi32>
        %add3A_144 = arith.addi %iota3A_47, %add3A_143 : vector<16xi32>
        %gt3A = arith.cmpf ogt, %get3A_136, %while3A_131 : vector<16xf32>
        %eq3A_145 = arith.cmpf oeq, %get3A_136, %while3A_131 : vector<16xf32>
        %lt3A = arith.cmpi slt, %get3A_140, %while3A_132 : vector<16xi32>
        %and3A_146 = arith.andi %eq3A_145, %lt3A : vector<16xi1>
        %or3A = arith.ori %gt3A, %and3A_146 : vector<16xi1>
        %add3A_147 = arith.constant 1 : i32
        %add3A_148 = arith.addi %while3A_130, %add3A_147 : i32
        %select_n3A_149 = arith.select %or3A, %get3A_136, %while3A_131 : vector<16xi1>, vector<16xf32>
        %select_n3A_150 = arith.select %or3A, %get3A_140, %while3A_132 : vector<16xi1>, vector<16xi32>
        %select_n3A_151 = arith.select %or3A, %add3A_144, %while3A_133 : vector<16xi1>, vector<16xi32>
        scf.yield %add3A_148, %select_n3A_149, %select_n3A_150, %select_n3A_151 : i32, vector<16xf32>, vector<16xi32>, vector<16xi32>
      }
      %masked_sort3A_93 = arith.constant dense<true> : vector<16xi1>
      %masked_sort3A_94, %masked_sort3A_95, %masked_sort3A_96 = tpu.sort %while3A_92#1, %while3A_92#1 masked %masked_sort3A_93 : (vector<16xf32>, vector<16xf32>, vector<16xi1>) -> (vector<16xi1>, vector<16xf32>, vector<16xf32>)
      %broadcast_in_dim3A_97 = arith.constant 15 : i32
      %broadcast_in_dim3A_98 = vector.broadcast %broadcast_in_dim3A_97 : i32 to vector<16x1xi32>
      %gather3A_99 = vector.shape_cast %broadcast_in_dim3A_98 : vector<16x1xi32> to vector<16xi32>
      %gather3A_100 = tpu.dynamic_gather %masked_sort3A_95[%gather3A_99] in [0] : vector<16xf32>, vector<16xi32> -> vector<16xf32>
      %eq3A = arith.cmpf oeq, %while3A_92#1, %gather3A_100 : vector<16xf32>
      %select_n3A = arith.select %eq3A, %while3A_92#2, %broadcast_in_dim3A_51 : vector<16xi1>, vector<16xi32>
      %masked_sort3A_101 = arith.constant dense<true> : vector<16xi1>
      %masked_sort3A_102 = arith.constant -2147483648 : i32
      %masked_sort3A_103 = vector.broadcast %masked_sort3A_102 : i32 to vector<16xi32>
      %masked_sort3A_104 = arith.xori %select_n3A, %masked_sort3A_103 : vector<16xi32>
      %masked_sort3A_105, %masked_sort3A_106, %masked_sort3A_107 = tpu.sort %masked_sort3A_104, %select_n3A masked %masked_sort3A_101 : (vector<16xi32>, vector<16xi32>, vector<16xi1>) -> (vector<16xi1>, vector<16xi32>, vector<16xi32>)
      %masked_sort3A_108 = arith.xori %masked_sort3A_106, %masked_sort3A_103 : vector<16xi32>
      %broadcast_in_dim3A_109 = arith.constant 0 : i32
      %broadcast_in_dim3A_110 = vector.broadcast %broadcast_in_dim3A_109 : i32 to vector<16x1xi32>
      %gather3A_111 = vector.shape_cast %broadcast_in_dim3A_110 : vector<16x1xi32> to vector<16xi32>
      %gather3A_112 = tpu.dynamic_gather %masked_sort3A_108[%gather3A_111] in [0] : vector<16xi32>, vector<16xi32> -> vector<16xi32>
      %eq3A_113 = arith.cmpi eq, %select_n3A, %gather3A_112 : vector<16xi32>
      tpu.vector_store_idx %arg7[%while3A_92#3], %broadcast_in_dim3A_49 masked %eq3A_113 : memref<8208xf32, #tpu.memory_space<vmem>>[vector<16xi32>], vector<16xf32>, vector<16xi1>
      %broadcast_in_dim3A_114 = arith.constant 1 : i32
      %broadcast_in_dim3A_115 = vector.broadcast %broadcast_in_dim3A_114 : i32 to vector<16xi32>
      %mul3A_116 = vector.broadcast %scan3A_88 : i32 to vector<16xi32>
      %mul3A_117 = arith.muli %broadcast_in_dim3A_115, %mul3A_116 : vector<16xi32>
      %eq3A_118 = arith.constant 0 : i32
      %eq3A_119 = vector.broadcast %eq3A_118 : i32 to vector<16xi32>
      %eq3A_120 = arith.cmpi eq, %iota3A_47, %eq3A_119 : vector<16xi32>
      %and3A = arith.constant 4095 : i32
      %and3A_121 = vector.broadcast %and3A : i32 to vector<16xi32>
      %and3A_122 = arith.andi %gather3A_112, %and3A_121 : vector<16xi32>
      %mul3A_123 = arith.constant 4096 : i32
      %mul3A_124 = arith.muli %add3A_44, %mul3A_123 : i32
      %add3A_125 = vector.broadcast %mul3A_124 : i32 to vector<16xi32>
      %add3A_126 = arith.addi %and3A_122, %add3A_125 : vector<16xi32>
      tpu.vector_store_idx %arg9[%mul3A_117], %add3A_126 masked %eq3A_120 : memref<32xi32, #tpu.memory_space<vmem>>[vector<16xi32>], vector<16xi32>, vector<16xi1>
      %shift_right_logical3A = arith.constant 12 : i32
      %shift_right_logical3A_127 = vector.broadcast %shift_right_logical3A : i32 to vector<16xi32>
      %shift_right_logical3A_128 = arith.shrui %gather3A_112, %shift_right_logical3A_127 : vector<16xi32>
      tpu.vector_store_idx %arg10[%mul3A_117], %shift_right_logical3A_128 masked %eq3A_120 : memref<32xi32, #tpu.memory_space<vmem>>[vector<16xi32>], vector<16xi32>, vector<16xi1>
      %scan3A_129 = arith.constant 0 : i32
      scf.yield %scan3A_129 : i32
    }
    %scan3A_81 = arith.constant 32 : i32
    %dma_start3A_82 = arith.constant 0 : i32
    %dma_start3A_83 = arith.constant 0 : i32
    %dma_start3A_84 = tpu.memref_slice %arg3[%dma_start3A_82, %dma_start3A_83] : memref<262144x128xf32, #tpu.memory_space<hbm>> -> memref<262144x128xf32, #tpu.memory_space<hbm>>
    tpu.enqueue_indirect_dma source(%dma_start3A_84 : memref<262144x128xf32, #tpu.memory_space<hbm>>) target(%arg11 : memref<32x128xf32, #tpu.memory_space<vmem>>) offsets(%arg9 : memref<32xi32, #tpu.memory_space<vmem>>) semaphore(%arg12 : memref<!tpu.dma_semaphore, #tpu.memory_space<semaphore_mem>>)
    %dma_wait3A_85 = arith.constant 0 : i32
    %dma_wait3A_86 = arith.constant 0 : i32
    %dma_wait3A_87 = tpu.memref_slice %arg3[%dma_wait3A_85, %dma_wait3A_86] : memref<262144x128xf32, #tpu.memory_space<hbm>> -> memref<262144x128xf32, #tpu.memory_space<hbm>>
    tpu.wait_indirect_dma semaphore(%arg12 : memref<!tpu.dma_semaphore, #tpu.memory_space<semaphore_mem>>) src(%dma_wait3A_87 : memref<262144x128xf32, #tpu.memory_space<hbm>>) dst(%arg11 : memref<32x128xf32, #tpu.memory_space<vmem>>)
    "tpu.region"() ({
      %run_scoped3A = tpu.sem_alloc : memref<!tpu.dma_semaphore, #tpu.memory_space<semaphore_mem>>
      %dma_start3A_88 = arith.constant 0 : i32
      %dma_start3A_89 = arith.constant 0 : i32
      %dma_start3A_90 = tpu.memref_slice %arg4[%add3A_44, %dma_start3A_88, %dma_start3A_89] : memref<64x32x128xf32, #tpu.memory_space<hbm>> -> memref<1x32x128xf32, #tpu.memory_space<hbm>>
      %dma_start3A_91 = tpu.memref_squeeze %dma_start3A_90 : memref<1x32x128xf32, #tpu.memory_space<hbm>> -> memref<32x128xf32, #tpu.memory_space<hbm>>
      %dma_start3A_92 = arith.constant 0 : i32
      %dma_start3A_93 = arith.constant 0 : i32
      %dma_start3A_94 = tpu.memref_slice %arg4[%add3A_44, %dma_start3A_92, %dma_start3A_93] : memref<64x32x128xf32, #tpu.memory_space<hbm>> -> memref<1x32x128xf32, #tpu.memory_space<hbm>>
      %dma_start3A_95 = tpu.memref_squeeze %dma_start3A_94 : memref<1x32x128xf32, #tpu.memory_space<hbm>> -> memref<32x128xf32, #tpu.memory_space<hbm>>
      tpu.enqueue_dma source(%arg11 : memref<32x128xf32, #tpu.memory_space<vmem>>) target(%dma_start3A_95 : memref<32x128xf32, #tpu.memory_space<hbm>>) target_semaphore(%run_scoped3A : memref<!tpu.dma_semaphore, #tpu.memory_space<semaphore_mem>>)
      %dma_wait3A_96 = arith.constant 0 : i32
      %dma_wait3A_97 = arith.constant 0 : i32
      %dma_wait3A_98 = tpu.memref_slice %arg4[%add3A_44, %dma_wait3A_96, %dma_wait3A_97] : memref<64x32x128xf32, #tpu.memory_space<hbm>> -> memref<1x32x128xf32, #tpu.memory_space<hbm>>
      %dma_wait3A_99 = tpu.memref_squeeze %dma_wait3A_98 : memref<1x32x128xf32, #tpu.memory_space<hbm>> -> memref<32x128xf32, #tpu.memory_space<hbm>>
      %dma_wait3A_100 = arith.constant 0 : i32
      %dma_wait3A_101 = arith.constant 0 : i32
      %dma_wait3A_102 = tpu.memref_slice %arg4[%add3A_44, %dma_wait3A_100, %dma_wait3A_101] : memref<64x32x128xf32, #tpu.memory_space<hbm>> -> memref<1x32x128xf32, #tpu.memory_space<hbm>>
      %dma_wait3A_103 = tpu.memref_squeeze %dma_wait3A_102 : memref<1x32x128xf32, #tpu.memory_space<hbm>> -> memref<32x128xf32, #tpu.memory_space<hbm>>
      tpu.wait_dma2 semaphore(%run_scoped3A : memref<!tpu.dma_semaphore, #tpu.memory_space<semaphore_mem>>) src(%arg11 : memref<32x128xf32, #tpu.memory_space<vmem>>) dst(%dma_wait3A_103 : memref<32x128xf32, #tpu.memory_space<hbm>>)
      tpu.yield
    }) : () -> ()
    "tpu.region"() ({
      %run_scoped3A = tpu.sem_alloc : memref<!tpu.dma_semaphore, #tpu.memory_space<semaphore_mem>>
      %dma_start3A_88 = arith.constant 0 : i32
      %dma_start3A_89 = tpu.memref_slice %arg5[%add3A_44, %dma_start3A_88] : memref<64x32xi32, #tpu.memory_space<hbm>> -> memref<1x32xi32, #tpu.memory_space<hbm>>
      %dma_start3A_90 = tpu.memref_squeeze %dma_start3A_89 : memref<1x32xi32, #tpu.memory_space<hbm>> -> memref<32xi32, #tpu.memory_space<hbm>>
      %dma_start3A_91 = arith.constant 0 : i32
      %dma_start3A_92 = tpu.memref_slice %arg5[%add3A_44, %dma_start3A_91] : memref<64x32xi32, #tpu.memory_space<hbm>> -> memref<1x32xi32, #tpu.memory_space<hbm>>
      %dma_start3A_93 = tpu.memref_squeeze %dma_start3A_92 : memref<1x32xi32, #tpu.memory_space<hbm>> -> memref<32xi32, #tpu.memory_space<hbm>>
      tpu.enqueue_dma source(%arg10 : memref<32xi32, #tpu.memory_space<vmem>>) target(%dma_start3A_93 : memref<32xi32, #tpu.memory_space<hbm>>) target_semaphore(%run_scoped3A : memref<!tpu.dma_semaphore, #tpu.memory_space<semaphore_mem>>)
      %dma_wait3A_94 = arith.constant 0 : i32
      %dma_wait3A_95 = tpu.memref_slice %arg5[%add3A_44, %dma_wait3A_94] : memref<64x32xi32, #tpu.memory_space<hbm>> -> memref<1x32xi32, #tpu.memory_space<hbm>>
      %dma_wait3A_96 = tpu.memref_squeeze %dma_wait3A_95 : memref<1x32xi32, #tpu.memory_space<hbm>> -> memref<32xi32, #tpu.memory_space<hbm>>
      %dma_wait3A_97 = arith.constant 0 : i32
      %dma_wait3A_98 = tpu.memref_slice %arg5[%add3A_44, %dma_wait3A_97] : memref<64x32xi32, #tpu.memory_space<hbm>> -> memref<1x32xi32, #tpu.memory_space<hbm>>
      %dma_wait3A_99 = tpu.memref_squeeze %dma_wait3A_98 : memref<1x32xi32, #tpu.memory_space<hbm>> -> memref<32xi32, #tpu.memory_space<hbm>>
      tpu.wait_dma2 semaphore(%run_scoped3A : memref<!tpu.dma_semaphore, #tpu.memory_space<semaphore_mem>>) src(%arg10 : memref<32xi32, #tpu.memory_space<vmem>>) dst(%dma_wait3A_99 : memref<32xi32, #tpu.memory_space<hbm>>)
      tpu.yield
    }) : () -> ()
    return
  }
}

module attributes {stable_mosaic.version = 14 : i64} {
  func.func @_pass1_body(%arg0: i32, %arg1: memref<1x1x64xf32, #tpu.memory_space<vmem>>, %arg2: memref<1x8192x64xbf16, #tpu.memory_space<vmem>>, %arg3: memref<1x1x8192xf32, #tpu.memory_space<vmem>>, %arg4: memref<64x64xf32, #tpu.memory_space<vmem>>, %arg5: memref<64x64xbf16, #tpu.memory_space<vmem>>, %arg6: memref<64x64xf32, #tpu.memory_space<vmem>>, %arg7: memref<64x128xf32, #tpu.memory_space<vmem>>, %arg8: memref<1x64xf32, #tpu.memory_space<vmem>>, %arg9: memref<1x1x8192xf32, #tpu.memory_space<vmem>>, %arg10: memref<1x1x64xf32, #tpu.memory_space<vmem>>, %arg11: memref<4096x128xf32, #tpu.memory_space<vmem>>) attributes {dimension_semantics = [#tpu.dimension_semantics<arbitrary>], iteration_bounds = array<i64: 64>, scalar_prefetch = 0 : i64, scratch_operands = 0 : i64, tpu.core_type = #tpu.core_type<tc>, window_params = [{transform_indices = @transform_0, window_bounds = array<i64: 1, 1, 64>}, {transform_indices = @transform_1, window_bounds = array<i64: 1, 8192, 64>}, {transform_indices = @transform_2, window_bounds = array<i64: 1, 1, 8192>}, {pipeline_mode = #tpu.pipeline_mode<synchronous>, transform_indices = @transform_3, window_bounds = array<i64: 64, 64>}, {pipeline_mode = #tpu.pipeline_mode<synchronous>, transform_indices = @transform_4, window_bounds = array<i64: 64, 64>}, {pipeline_mode = #tpu.pipeline_mode<synchronous>, transform_indices = @transform_5, window_bounds = array<i64: 64, 64>}, {pipeline_mode = #tpu.pipeline_mode<synchronous>, transform_indices = @transform_6, window_bounds = array<i64: 64, 128>}, {pipeline_mode = #tpu.pipeline_mode<synchronous>, transform_indices = @transform_7, window_bounds = array<i64: 1, 64>}, {transform_indices = @transform_8, window_bounds = array<i64: 1, 1, 8192>}, {transform_indices = @transform_9, window_bounds = array<i64: 1, 1, 64>}, {transform_indices = @transform_10, window_bounds = array<i64: 4096, 128>}]} {
    %get3A = arith.constant 0 : index
    %get3A_0 = arith.constant 0 : index
    %get3A_1 = arith.constant 0 : index
    %get3A_2 = vector.load %arg1[%get3A, %get3A_0, %get3A_1] : memref<1x1x64xf32, #tpu.memory_space<vmem>>, vector<1x1x64xf32>
    %get3A_3 = vector.shape_cast %get3A_2 : vector<1x1x64xf32> to vector<1x64xf32>
    %get3A_4 = arith.constant 0 : index
    %get3A_5 = arith.constant 0 : index
    %get3A_6 = vector.load %arg4[%get3A_4, %get3A_5] : memref<64x64xf32, #tpu.memory_space<vmem>>, vector<64x64xf32>
    %dot_general3A = arith.constant dense<0.000000e+00> : vector<1x64xf32>
    %dot_general3A_7 = tpu.matmul %get3A_3, %get3A_6, %dot_general3A {dimension_numbers = #tpu.dot_dimension_numbers<[1], [0], [0], [1], [0, 0, 1, 1], [], []>, transpose_lhs_hint = false} : vector<1x64xf32>, vector<64x64xf32>, vector<1x64xf32> -> vector<1x64xf32>
    %convert_element_type3A = arith.truncf %dot_general3A_7 : vector<1x64xf32> to vector<1x64xbf16>
    %get3A_8 = arith.constant 0 : index
    %get3A_9 = arith.constant 0 : index
    %get3A_10 = arith.constant 0 : index
    %get3A_11 = vector.load %arg2[%get3A_8, %get3A_9, %get3A_10] : memref<1x8192x64xbf16, #tpu.memory_space<vmem>>, vector<1x8192x64xbf16>
    %get3A_12 = vector.shape_cast %get3A_11 : vector<1x8192x64xbf16> to vector<8192x64xbf16>
    %slice3A = vector.extract_strided_slice %get3A_12 {offsets = [0, 0], sizes = [4096, 64], strides = [1, 1]} : vector<8192x64xbf16> to vector<4096x64xbf16>
    %slice3A_13 = vector.extract_strided_slice %get3A_12 {offsets = [4096, 0], sizes = [4096, 64], strides = [1, 1]} : vector<8192x64xbf16> to vector<4096x64xbf16>
    %concatenate3A = tpu.concatenate %slice3A, %slice3A_13 in 1 : vector<4096x64xbf16>, vector<4096x64xbf16> -> vector<4096x128xbf16>
    %convert_element_type3A_14 = arith.extf %concatenate3A : vector<4096x128xbf16> to vector<4096x128xf32>
    %swap3A = arith.constant 0 : index
    %swap3A_15 = arith.constant 0 : index
    %swap3A_16 = vector.load %arg11[%swap3A, %swap3A_15] : memref<4096x128xf32, #tpu.memory_space<vmem>>, vector<4096x128xf32>
    tpu.vector_store %arg11[%swap3A, %swap3A_15], %convert_element_type3A_14 {strides = array<i32>} : memref<4096x128xf32, #tpu.memory_space<vmem>>, vector<4096x128xf32>,
    %get3A_17 = arith.constant 0 : index
    %get3A_18 = arith.constant 0 : index
    %get3A_19 = vector.load %arg5[%get3A_17, %get3A_18] : memref<64x64xbf16, #tpu.memory_space<vmem>>, vector<64x64xbf16>
    %dot_general3A_20 = arith.constant dense<0.000000e+00> : vector<8192x64xf32>
    %dot_general3A_21 = tpu.matmul %get3A_12, %get3A_19, %dot_general3A_20 {dimension_numbers = #tpu.dot_dimension_numbers<[1], [0], [0], [1], [0, 0, 1, 1], [], []>, transpose_lhs_hint = false} : vector<8192x64xbf16>, vector<64x64xbf16>, vector<8192x64xf32> -> vector<8192x64xf32>
    %convert_element_type3A_22 = arith.truncf %dot_general3A_21 : vector<8192x64xf32> to vector<8192x64xbf16>
    %dot_general3A_23 = arith.constant dense<0.000000e+00> : vector<1x8192xf32>
    %dot_general3A_24 = tpu.matmul %convert_element_type3A, %convert_element_type3A_22, %dot_general3A_23 {dimension_numbers = #tpu.dot_dimension_numbers<[1], [1], [0], [0], [0, 0, 1, 0], [], []>, transpose_lhs_hint = false} : vector<1x64xbf16>, vector<8192x64xbf16>, vector<1x8192xf32> -> vector<1x8192xf32>
    %mul3A = arith.constant 1.250000e-01 : f32
    %mul3A_25 = vector.broadcast %mul3A : f32 to vector<1x8192xf32>
    %mul3A_26 = arith.mulf %mul3A_25, %dot_general3A_24 : vector<1x8192xf32>
    %get3A_27 = arith.constant 0 : index
    %get3A_28 = arith.constant 0 : index
    %get3A_29 = arith.constant 0 : index
    %get3A_30 = vector.load %arg3[%get3A_27, %get3A_28, %get3A_29] : memref<1x1x8192xf32, #tpu.memory_space<vmem>>, vector<1x1x8192xf32>
    %get3A_31 = vector.shape_cast %get3A_30 : vector<1x1x8192xf32> to vector<1x8192xf32>
    %ne3A = arith.constant 0.000000e+00 : f32
    %ne3A_32 = vector.broadcast %ne3A : f32 to vector<1x8192xf32>
    %ne3A_33 = arith.cmpf one, %get3A_31, %ne3A_32 : vector<1x8192xf32>
    %jit3A = arith.constant 0xFF800000 : f32
    %broadcast_in_dim3A = vector.broadcast %jit3A : f32 to vector<1x8192xf32>
    %select_n3A = arith.select %ne3A_33, %broadcast_in_dim3A, %mul3A_26 : vector<1x8192xi1>, vector<1x8192xf32>
    %swap3A_34 = arith.constant 0 : index
    %swap3A_35 = arith.constant 0 : index
    %swap3A_36 = arith.constant 0 : index
    %swap3A_37 = vector.load %arg9[%swap3A_34, %swap3A_35, %swap3A_36] : memref<1x1x8192xf32, #tpu.memory_space<vmem>>, vector<1x1x8192xf32>
    %swap3A_38 = vector.shape_cast %swap3A_37 : vector<1x1x8192xf32> to vector<1x8192xf32>
    %swap3A_39 = vector.shape_cast %select_n3A : vector<1x8192xf32> to vector<1x1x8192xf32>
    tpu.vector_store %arg9[%swap3A_34, %swap3A_35, %swap3A_36], %swap3A_39 {strides = array<i32>} : memref<1x1x8192xf32, #tpu.memory_space<vmem>>, vector<1x1x8192xf32>,
    %reduce_max3A = vector.shape_cast %select_n3A : vector<1x8192xf32> to vector<1x1x8192xf32>
    %reduce_max3A_40 = arith.constant dense<0xFF800000> : vector<1xf32>
    %reduce_max3A_41 = vector.multi_reduction <maximumf>, %reduce_max3A, %reduce_max3A_40 [1, 2] : vector<1x1x8192xf32> to vector<1xf32>
    %reduce_max3A_42 = vector.shape_cast %reduce_max3A_41 : vector<1xf32> to vector<1x1x1xf32>
    %reduce_max3A_43 = vector.extract %reduce_max3A_42[0, 0, 0] : f32 from vector<1x1x1xf32>
    %max3A = arith.constant -1.000000e+30 : f32
    %max3A_44 = arith.maximumf %reduce_max3A_43, %max3A : f32
    %sub3A = vector.broadcast %max3A_44 : f32 to vector<1x8192xf32>
    %sub3A_45 = arith.subf %select_n3A, %sub3A : vector<1x8192xf32>
    %exp3A = math.exp %sub3A_45 : vector<1x8192xf32>
    %reduce_sum3A = vector.shape_cast %exp3A : vector<1x8192xf32> to vector<1x1x8192xf32>
    %reduce_sum3A_46 = arith.constant dense<0.000000e+00> : vector<1xf32>
    %reduce_sum3A_47 = vector.multi_reduction <add>, %reduce_sum3A, %reduce_sum3A_46 [1, 2] : vector<1x1x8192xf32> to vector<1xf32>
    %reduce_sum3A_48 = vector.shape_cast %reduce_sum3A_47 : vector<1xf32> to vector<1x1x1xf32>
    %reduce_sum3A_49 = vector.extract %reduce_sum3A_48[0, 0, 0] : f32 from vector<1x1x1xf32>
    %convert_element_type3A_50 = arith.truncf %exp3A : vector<1x8192xf32> to vector<1x8192xbf16>
    %dot_general3A_51 = arith.constant dense<0.000000e+00> : vector<1x64xf32>
    %dot_general3A_52 = tpu.matmul %convert_element_type3A_50, %get3A_12, %dot_general3A_51 {dimension_numbers = #tpu.dot_dimension_numbers<[1], [0], [0], [1], [0, 0, 1, 1], [], []>, transpose_lhs_hint = false} : vector<1x8192xbf16>, vector<8192x64xbf16>, vector<1x64xf32> -> vector<1x64xf32>
    %gt3A = arith.constant 0.000000e+00 : f32
    %gt3A_53 = arith.cmpf ogt, %reduce_sum3A_49, %gt3A : f32
    %div3A = arith.constant 1.000000e+00 : f32
    %div3A_54 = arith.divf %div3A, %reduce_sum3A_49 : f32
    %jit3A_55 = arith.constant 0.000000e+00 : f32
    %select_n3A_56 = arith.select %gt3A_53, %div3A_54, %jit3A_55 : f32
    %mul3A_57 = vector.broadcast %select_n3A_56 : f32 to vector<1x64xf32>
    %mul3A_58 = arith.mulf %dot_general3A_52, %mul3A_57 : vector<1x64xf32>
    %get3A_59 = arith.constant 0 : index
    %get3A_60 = arith.constant 0 : index
    %get3A_61 = vector.load %arg6[%get3A_59, %get3A_60] : memref<64x64xf32, #tpu.memory_space<vmem>>, vector<64x64xf32>
    %dot_general3A_62 = arith.constant dense<0.000000e+00> : vector<1x64xf32>
    %dot_general3A_63 = tpu.matmul %mul3A_58, %get3A_61, %dot_general3A_62 {dimension_numbers = #tpu.dot_dimension_numbers<[1], [0], [0], [1], [0, 0, 1, 1], [], []>, precision = #tpu.contract_precision<fp32>, transpose_lhs_hint = false} : vector<1x64xf32>, vector<64x64xf32>, vector<1x64xf32> -> vector<1x64xf32>
    %concatenate3A_64 = tpu.concatenate %get3A_3, %dot_general3A_63 in 1 : vector<1x64xf32>, vector<1x64xf32> -> vector<1x128xf32>
    %get3A_65 = arith.constant 0 : index
    %get3A_66 = arith.constant 0 : index
    %get3A_67 = vector.load %arg7[%get3A_65, %get3A_66] : memref<64x128xf32, #tpu.memory_space<vmem>>, vector<64x128xf32>
    %dot_general3A_68 = arith.constant dense<0.000000e+00> : vector<1x64xf32>
    %dot_general3A_69 = tpu.matmul %concatenate3A_64, %get3A_67, %dot_general3A_68 {dimension_numbers = #tpu.dot_dimension_numbers<[1], [1], [0], [0], [0, 0, 1, 0], [], []>, precision = #tpu.contract_precision<fp32>, transpose_lhs_hint = false} : vector<1x128xf32>, vector<64x128xf32>, vector<1x64xf32> -> vector<1x64xf32>
    %get3A_70 = arith.constant 0 : index
    %get3A_71 = arith.constant 0 : index
    %get3A_72 = vector.load %arg8[%get3A_70, %get3A_71] : memref<1x64xf32, #tpu.memory_space<vmem>>, vector<1x64xf32>
    %add3A = arith.addf %dot_general3A_69, %get3A_72 : vector<1x64xf32>
    %max3A_73 = arith.constant 0.000000e+00 : f32
    %max3A_74 = vector.broadcast %max3A_73 : f32 to vector<1x64xf32>
    %max3A_75 = arith.maximumf %add3A, %max3A_74 : vector<1x64xf32>
    %swap3A_76 = arith.constant 0 : index
    %swap3A_77 = arith.constant 0 : index
    %swap3A_78 = arith.constant 0 : index
    %swap3A_79 = vector.load %arg10[%swap3A_76, %swap3A_77, %swap3A_78] : memref<1x1x64xf32, #tpu.memory_space<vmem>>, vector<1x1x64xf32>
    %swap3A_80 = vector.shape_cast %swap3A_79 : vector<1x1x64xf32> to vector<1x64xf32>
    %swap3A_81 = vector.shape_cast %max3A_75 : vector<1x64xf32> to vector<1x1x64xf32>
    tpu.vector_store %arg10[%swap3A_76, %swap3A_77, %swap3A_78], %swap3A_81 {strides = array<i32>} : memref<1x1x64xf32, #tpu.memory_space<vmem>>, vector<1x1x64xf32>,
    return
  }
  func.func @transform_0(%arg0: i32) -> (i32, i32, i32) {
    %c0_i32 = arith.constant 0 : i32
    %c0_i32_0 = arith.constant 0 : i32
    %c0_i32_1 = arith.constant 0 : i32
    return %arg0, %c0_i32, %c0_i32_0 : i32, i32, i32
  }
  func.func @transform_1(%arg0: i32) -> (i32, i32, i32) {
    %c0_i32 = arith.constant 0 : i32
    %c0_i32_0 = arith.constant 0 : i32
    %c0_i32_1 = arith.constant 0 : i32
    return %arg0, %c0_i32, %c0_i32_0 : i32, i32, i32
  }
  func.func @transform_2(%arg0: i32) -> (i32, i32, i32) {
    %c0_i32 = arith.constant 0 : i32
    %c0_i32_0 = arith.constant 0 : i32
    %c0_i32_1 = arith.constant 0 : i32
    return %arg0, %c0_i32, %c0_i32_0 : i32, i32, i32
  }
  func.func @transform_3(%arg0: i32) -> (i32, i32) {
    %c0_i32 = arith.constant 0 : i32
    %c0_i32_0 = arith.constant 0 : i32
    %c0_i32_1 = arith.constant 0 : i32
    return %c0_i32, %c0_i32_0 : i32, i32
  }
  func.func @transform_4(%arg0: i32) -> (i32, i32) {
    %c0_i32 = arith.constant 0 : i32
    %c0_i32_0 = arith.constant 0 : i32
    %c0_i32_1 = arith.constant 0 : i32
    return %c0_i32, %c0_i32_0 : i32, i32
  }
  func.func @transform_5(%arg0: i32) -> (i32, i32) {
    %c0_i32 = arith.constant 0 : i32
    %c0_i32_0 = arith.constant 0 : i32
    %c0_i32_1 = arith.constant 0 : i32
    return %c0_i32, %c0_i32_0 : i32, i32
  }
  func.func @transform_6(%arg0: i32) -> (i32, i32) {
    %c0_i32 = arith.constant 0 : i32
    %c0_i32_0 = arith.constant 0 : i32
    %c0_i32_1 = arith.constant 0 : i32
    return %c0_i32, %c0_i32_0 : i32, i32
  }
  func.func @transform_7(%arg0: i32) -> (i32, i32) {
    %c0_i32 = arith.constant 0 : i32
    %c0_i32_0 = arith.constant 0 : i32
    %c0_i32_1 = arith.constant 0 : i32
    return %c0_i32, %c0_i32_0 : i32, i32
  }
  func.func @transform_8(%arg0: i32) -> (i32, i32, i32) {
    %c0_i32 = arith.constant 0 : i32
    %c0_i32_0 = arith.constant 0 : i32
    %c0_i32_1 = arith.constant 0 : i32
    return %arg0, %c0_i32, %c0_i32_0 : i32, i32, i32
  }
  func.func @transform_9(%arg0: i32) -> (i32, i32, i32) {
    %c0_i32 = arith.constant 0 : i32
    %c0_i32_0 = arith.constant 0 : i32
    %c0_i32_1 = arith.constant 0 : i32
    return %arg0, %c0_i32, %c0_i32_0 : i32, i32, i32
  }
  func.func @transform_10(%arg0: i32) -> (i32, i32) {
    %c0_i32 = arith.constant 0 : i32
    %c0_i32_0 = arith.constant 0 : i32
    return %arg0, %c0_i32 : i32, i32
  }
}

module attributes {stable_mosaic.version = 14 : i64} {
  func.func @_final_body(%arg0: memref<64x64xf32, #tpu.memory_space<vmem>>, %arg1: memref<64x32x128xf32, #tpu.memory_space<vmem>>, %arg2: memref<64x32xi32, #tpu.memory_space<vmem>>, %arg3: memref<64x64xf32, #tpu.memory_space<vmem>>, %arg4: memref<32x64x64xf32, #tpu.memory_space<vmem>>, %arg5: memref<1x64xf32, #tpu.memory_space<vmem>>, %arg6: memref<64x64xf32, #tpu.memory_space<vmem>>) attributes {dimension_semantics = [], scalar_prefetch = 0 : i64, scratch_operands = 0 : i64, tpu.core_type = #tpu.core_type<tc>} {
    %get3A = arith.constant 0 : index
    %get3A_0 = arith.constant 0 : index
    %get3A_1 = vector.load %arg0[%get3A, %get3A_0] : memref<64x64xf32, #tpu.memory_space<vmem>>, vector<64x64xf32>
    %get3A_2 = arith.constant 0 : index
    %get3A_3 = arith.constant 0 : index
    %get3A_4 = vector.load %arg3[%get3A_2, %get3A_3] : memref<64x64xf32, #tpu.memory_space<vmem>>, vector<64x64xf32>
    %dot_general3A = arith.constant dense<0.000000e+00> : vector<64x64xf32>
    %dot_general3A_5 = tpu.matmul %get3A_1, %get3A_4, %dot_general3A {dimension_numbers = #tpu.dot_dimension_numbers<[1], [1], [0], [0], [0, 0, 1, 0], [], []>, precision = #tpu.contract_precision<fp32>, transpose_lhs_hint = false} : vector<64x64xf32>, vector<64x64xf32>, vector<64x64xf32> -> vector<64x64xf32>
    %get3A_6 = arith.constant 0 : index
    %get3A_7 = arith.constant 0 : index
    %get3A_8 = vector.load %arg2[%get3A_6, %get3A_7] : memref<64x32xi32, #tpu.memory_space<vmem>>, vector<64x1xi32>
    %ne3A = arith.constant 0 : i32
    %ne3A_9 = vector.broadcast %ne3A : i32 to vector<64x1xi32>
    %ne3A_10 = arith.cmpi ne, %get3A_8, %ne3A_9 : vector<64x1xi32>
    %get3A_11 = arith.constant 0 : index
    %get3A_12 = arith.constant 0 : index
    %get3A_13 = arith.constant 64 : index
    %get3A_14 = vector.load %arg1[%get3A_11, %get3A_12, %get3A_13] : memref<64x32x128xf32, #tpu.memory_space<vmem>>, vector<64x1x64xf32>
    %get3A_15 = vector.shape_cast %get3A_14 : vector<64x1x64xf32> to vector<64x64xf32>
    %get3A_16 = arith.constant 0 : index
    %get3A_17 = arith.constant 0 : index
    %get3A_18 = arith.constant 0 : index
    %get3A_19 = vector.load %arg1[%get3A_16, %get3A_17, %get3A_18] : memref<64x32x128xf32, #tpu.memory_space<vmem>>, vector<64x1x64xf32>
    %get3A_20 = vector.shape_cast %get3A_19 : vector<64x1x64xf32> to vector<64x64xf32>
    %broadcast_in_dim3A = vector.shape_cast %ne3A_10 : vector<64x1xi1> to vector<64x1xi1>
    %broadcast_in_dim3A_21 = vector.broadcast %broadcast_in_dim3A : vector<64x1xi1> to vector<64x64xi1>
    %select_n3A = arith.select %broadcast_in_dim3A_21, %get3A_15, %get3A_20 : vector<64x64xi1>, vector<64x64xf32>
    %get3A_22 = arith.constant 0 : index
    %get3A_23 = arith.constant 0 : index
    %get3A_24 = arith.constant 0 : index
    %get3A_25 = vector.load %arg4[%get3A_22, %get3A_23, %get3A_24] : memref<32x64x64xf32, #tpu.memory_space<vmem>>, vector<1x64x64xf32>
    %get3A_26 = vector.shape_cast %get3A_25 : vector<1x64x64xf32> to vector<64x64xf32>
    %dot_general3A_27 = arith.constant dense<0.000000e+00> : vector<64x64xf32>
    %dot_general3A_28 = tpu.matmul %select_n3A, %get3A_26, %dot_general3A_27 {dimension_numbers = #tpu.dot_dimension_numbers<[1], [0], [0], [1], [0, 0, 1, 1], [], []>, transpose_lhs_hint = false} : vector<64x64xf32>, vector<64x64xf32>, vector<64x64xf32> -> vector<64x64xf32>
    %add3A = arith.addf %dot_general3A_5, %dot_general3A_28 : vector<64x64xf32>
    %get3A_29 = arith.constant 0 : index
    %get3A_30 = arith.constant 1 : index
    %get3A_31 = vector.load %arg2[%get3A_29, %get3A_30] : memref<64x32xi32, #tpu.memory_space<vmem>>, vector<64x1xi32>
    %ne3A_32 = arith.constant 0 : i32
    %ne3A_33 = vector.broadcast %ne3A_32 : i32 to vector<64x1xi32>
    %ne3A_34 = arith.cmpi ne, %get3A_31, %ne3A_33 : vector<64x1xi32>
    %get3A_35 = arith.constant 0 : index
    %get3A_36 = arith.constant 1 : index
    %get3A_37 = arith.constant 64 : index
    %get3A_38 = vector.load %arg1[%get3A_35, %get3A_36, %get3A_37] : memref<64x32x128xf32, #tpu.memory_space<vmem>>, vector<64x1x64xf32>
    %get3A_39 = vector.shape_cast %get3A_38 : vector<64x1x64xf32> to vector<64x64xf32>
    %get3A_40 = arith.constant 0 : index
    %get3A_41 = arith.constant 1 : index
    %get3A_42 = arith.constant 0 : index
    %get3A_43 = vector.load %arg1[%get3A_40, %get3A_41, %get3A_42] : memref<64x32x128xf32, #tpu.memory_space<vmem>>, vector<64x1x64xf32>
    %get3A_44 = vector.shape_cast %get3A_43 : vector<64x1x64xf32> to vector<64x64xf32>
    %broadcast_in_dim3A_45 = vector.shape_cast %ne3A_34 : vector<64x1xi1> to vector<64x1xi1>
    %broadcast_in_dim3A_46 = vector.broadcast %broadcast_in_dim3A_45 : vector<64x1xi1> to vector<64x64xi1>
    %select_n3A_47 = arith.select %broadcast_in_dim3A_46, %get3A_39, %get3A_44 : vector<64x64xi1>, vector<64x64xf32>
    %get3A_48 = arith.constant 1 : index
    %get3A_49 = arith.constant 0 : index
    %get3A_50 = arith.constant 0 : index
    %get3A_51 = vector.load %arg4[%get3A_48, %get3A_49, %get3A_50] : memref<32x64x64xf32, #tpu.memory_space<vmem>>, vector<1x64x64xf32>
    %get3A_52 = vector.shape_cast %get3A_51 : vector<1x64x64xf32> to vector<64x64xf32>
    %dot_general3A_53 = arith.constant dense<0.000000e+00> : vector<64x64xf32>
    %dot_general3A_54 = tpu.matmul %select_n3A_47, %get3A_52, %dot_general3A_53 {dimension_numbers = #tpu.dot_dimension_numbers<[1], [0], [0], [1], [0, 0, 1, 1], [], []>, transpose_lhs_hint = false} : vector<64x64xf32>, vector<64x64xf32>, vector<64x64xf32> -> vector<64x64xf32>
    %add3A_55 = arith.addf %add3A, %dot_general3A_54 : vector<64x64xf32>
    %get3A_56 = arith.constant 0 : index
    %get3A_57 = arith.constant 2 : index
    %get3A_58 = vector.load %arg2[%get3A_56, %get3A_57] : memref<64x32xi32, #tpu.memory_space<vmem>>, vector<64x1xi32>
    %ne3A_59 = arith.constant 0 : i32
    %ne3A_60 = vector.broadcast %ne3A_59 : i32 to vector<64x1xi32>
    %ne3A_61 = arith.cmpi ne, %get3A_58, %ne3A_60 : vector<64x1xi32>
    %get3A_62 = arith.constant 0 : index
    %get3A_63 = arith.constant 2 : index
    %get3A_64 = arith.constant 64 : index
    %get3A_65 = vector.load %arg1[%get3A_62, %get3A_63, %get3A_64] : memref<64x32x128xf32, #tpu.memory_space<vmem>>, vector<64x1x64xf32>
    %get3A_66 = vector.shape_cast %get3A_65 : vector<64x1x64xf32> to vector<64x64xf32>
    %get3A_67 = arith.constant 0 : index
    %get3A_68 = arith.constant 2 : index
    %get3A_69 = arith.constant 0 : index
    %get3A_70 = vector.load %arg1[%get3A_67, %get3A_68, %get3A_69] : memref<64x32x128xf32, #tpu.memory_space<vmem>>, vector<64x1x64xf32>
    %get3A_71 = vector.shape_cast %get3A_70 : vector<64x1x64xf32> to vector<64x64xf32>
    %broadcast_in_dim3A_72 = vector.shape_cast %ne3A_61 : vector<64x1xi1> to vector<64x1xi1>
    %broadcast_in_dim3A_73 = vector.broadcast %broadcast_in_dim3A_72 : vector<64x1xi1> to vector<64x64xi1>
    %select_n3A_74 = arith.select %broadcast_in_dim3A_73, %get3A_66, %get3A_71 : vector<64x64xi1>, vector<64x64xf32>
    %get3A_75 = arith.constant 2 : index
    %get3A_76 = arith.constant 0 : index
    %get3A_77 = arith.constant 0 : index
    %get3A_78 = vector.load %arg4[%get3A_75, %get3A_76, %get3A_77] : memref<32x64x64xf32, #tpu.memory_space<vmem>>, vector<1x64x64xf32>
    %get3A_79 = vector.shape_cast %get3A_78 : vector<1x64x64xf32> to vector<64x64xf32>
    %dot_general3A_80 = arith.constant dense<0.000000e+00> : vector<64x64xf32>
    %dot_general3A_81 = tpu.matmul %select_n3A_74, %get3A_79, %dot_general3A_80 {dimension_numbers = #tpu.dot_dimension_numbers<[1], [0], [0], [1], [0, 0, 1, 1], [], []>, transpose_lhs_hint = false} : vector<64x64xf32>, vector<64x64xf32>, vector<64x64xf32> -> vector<64x64xf32>
    %add3A_82 = arith.addf %add3A_55, %dot_general3A_81 : vector<64x64xf32>
    %get3A_83 = arith.constant 0 : index
    %get3A_84 = arith.constant 3 : index
    %get3A_85 = vector.load %arg2[%get3A_83, %get3A_84] : memref<64x32xi32, #tpu.memory_space<vmem>>, vector<64x1xi32>
    %ne3A_86 = arith.constant 0 : i32
    %ne3A_87 = vector.broadcast %ne3A_86 : i32 to vector<64x1xi32>
    %ne3A_88 = arith.cmpi ne, %get3A_85, %ne3A_87 : vector<64x1xi32>
    %get3A_89 = arith.constant 0 : index
    %get3A_90 = arith.constant 3 : index
    %get3A_91 = arith.constant 64 : index
    %get3A_92 = vector.load %arg1[%get3A_89, %get3A_90, %get3A_91] : memref<64x32x128xf32, #tpu.memory_space<vmem>>, vector<64x1x64xf32>
    %get3A_93 = vector.shape_cast %get3A_92 : vector<64x1x64xf32> to vector<64x64xf32>
    %get3A_94 = arith.constant 0 : index
    %get3A_95 = arith.constant 3 : index
    %get3A_96 = arith.constant 0 : index
    %get3A_97 = vector.load %arg1[%get3A_94, %get3A_95, %get3A_96] : memref<64x32x128xf32, #tpu.memory_space<vmem>>, vector<64x1x64xf32>
    %get3A_98 = vector.shape_cast %get3A_97 : vector<64x1x64xf32> to vector<64x64xf32>
    %broadcast_in_dim3A_99 = vector.shape_cast %ne3A_88 : vector<64x1xi1> to vector<64x1xi1>
    %broadcast_in_dim3A_100 = vector.broadcast %broadcast_in_dim3A_99 : vector<64x1xi1> to vector<64x64xi1>
    %select_n3A_101 = arith.select %broadcast_in_dim3A_100, %get3A_93, %get3A_98 : vector<64x64xi1>, vector<64x64xf32>
    %get3A_102 = arith.constant 3 : index
    %get3A_103 = arith.constant 0 : index
    %get3A_104 = arith.constant 0 : index
    %get3A_105 = vector.load %arg4[%get3A_102, %get3A_103, %get3A_104] : memref<32x64x64xf32, #tpu.memory_space<vmem>>, vector<1x64x64xf32>
    %get3A_106 = vector.shape_cast %get3A_105 : vector<1x64x64xf32> to vector<64x64xf32>
    %dot_general3A_107 = arith.constant dense<0.000000e+00> : vector<64x64xf32>
    %dot_general3A_108 = tpu.matmul %select_n3A_101, %get3A_106, %dot_general3A_107 {dimension_numbers = #tpu.dot_dimension_numbers<[1], [0], [0], [1], [0, 0, 1, 1], [], []>, transpose_lhs_hint = false} : vector<64x64xf32>, vector<64x64xf32>, vector<64x64xf32> -> vector<64x64xf32>
    %add3A_109 = arith.addf %add3A_82, %dot_general3A_108 : vector<64x64xf32>
    %get3A_110 = arith.constant 0 : index
    %get3A_111 = arith.constant 4 : index
    %get3A_112 = vector.load %arg2[%get3A_110, %get3A_111] : memref<64x32xi32, #tpu.memory_space<vmem>>, vector<64x1xi32>
    %ne3A_113 = arith.constant 0 : i32
    %ne3A_114 = vector.broadcast %ne3A_113 : i32 to vector<64x1xi32>
    %ne3A_115 = arith.cmpi ne, %get3A_112, %ne3A_114 : vector<64x1xi32>
    %get3A_116 = arith.constant 0 : index
    %get3A_117 = arith.constant 4 : index
    %get3A_118 = arith.constant 64 : index
    %get3A_119 = vector.load %arg1[%get3A_116, %get3A_117, %get3A_118] : memref<64x32x128xf32, #tpu.memory_space<vmem>>, vector<64x1x64xf32>
    %get3A_120 = vector.shape_cast %get3A_119 : vector<64x1x64xf32> to vector<64x64xf32>
    %get3A_121 = arith.constant 0 : index
    %get3A_122 = arith.constant 4 : index
    %get3A_123 = arith.constant 0 : index
    %get3A_124 = vector.load %arg1[%get3A_121, %get3A_122, %get3A_123] : memref<64x32x128xf32, #tpu.memory_space<vmem>>, vector<64x1x64xf32>
    %get3A_125 = vector.shape_cast %get3A_124 : vector<64x1x64xf32> to vector<64x64xf32>
    %broadcast_in_dim3A_126 = vector.shape_cast %ne3A_115 : vector<64x1xi1> to vector<64x1xi1>
    %broadcast_in_dim3A_127 = vector.broadcast %broadcast_in_dim3A_126 : vector<64x1xi1> to vector<64x64xi1>
    %select_n3A_128 = arith.select %broadcast_in_dim3A_127, %get3A_120, %get3A_125 : vector<64x64xi1>, vector<64x64xf32>
    %get3A_129 = arith.constant 4 : index
    %get3A_130 = arith.constant 0 : index
    %get3A_131 = arith.constant 0 : index
    %get3A_132 = vector.load %arg4[%get3A_129, %get3A_130, %get3A_131] : memref<32x64x64xf32, #tpu.memory_space<vmem>>, vector<1x64x64xf32>
    %get3A_133 = vector.shape_cast %get3A_132 : vector<1x64x64xf32> to vector<64x64xf32>
    %dot_general3A_134 = arith.constant dense<0.000000e+00> : vector<64x64xf32>
    %dot_general3A_135 = tpu.matmul %select_n3A_128, %get3A_133, %dot_general3A_134 {dimension_numbers = #tpu.dot_dimension_numbers<[1], [0], [0], [1], [0, 0, 1, 1], [], []>, transpose_lhs_hint = false} : vector<64x64xf32>, vector<64x64xf32>, vector<64x64xf32> -> vector<64x64xf32>
    %add3A_136 = arith.addf %add3A_109, %dot_general3A_135 : vector<64x64xf32>
    %get3A_137 = arith.constant 0 : index
    %get3A_138 = arith.constant 5 : index
    %get3A_139 = vector.load %arg2[%get3A_137, %get3A_138] : memref<64x32xi32, #tpu.memory_space<vmem>>, vector<64x1xi32>
    %ne3A_140 = arith.constant 0 : i32
    %ne3A_141 = vector.broadcast %ne3A_140 : i32 to vector<64x1xi32>
    %ne3A_142 = arith.cmpi ne, %get3A_139, %ne3A_141 : vector<64x1xi32>
    %get3A_143 = arith.constant 0 : index
    %get3A_144 = arith.constant 5 : index
    %get3A_145 = arith.constant 64 : index
    %get3A_146 = vector.load %arg1[%get3A_143, %get3A_144, %get3A_145] : memref<64x32x128xf32, #tpu.memory_space<vmem>>, vector<64x1x64xf32>
    %get3A_147 = vector.shape_cast %get3A_146 : vector<64x1x64xf32> to vector<64x64xf32>
    %get3A_148 = arith.constant 0 : index
    %get3A_149 = arith.constant 5 : index
    %get3A_150 = arith.constant 0 : index
    %get3A_151 = vector.load %arg1[%get3A_148, %get3A_149, %get3A_150] : memref<64x32x128xf32, #tpu.memory_space<vmem>>, vector<64x1x64xf32>
    %get3A_152 = vector.shape_cast %get3A_151 : vector<64x1x64xf32> to vector<64x64xf32>
    %broadcast_in_dim3A_153 = vector.shape_cast %ne3A_142 : vector<64x1xi1> to vector<64x1xi1>
    %broadcast_in_dim3A_154 = vector.broadcast %broadcast_in_dim3A_153 : vector<64x1xi1> to vector<64x64xi1>
    %select_n3A_155 = arith.select %broadcast_in_dim3A_154, %get3A_147, %get3A_152 : vector<64x64xi1>, vector<64x64xf32>
    %get3A_156 = arith.constant 5 : index
    %get3A_157 = arith.constant 0 : index
    %get3A_158 = arith.constant 0 : index
    %get3A_159 = vector.load %arg4[%get3A_156, %get3A_157, %get3A_158] : memref<32x64x64xf32, #tpu.memory_space<vmem>>, vector<1x64x64xf32>
    %get3A_160 = vector.shape_cast %get3A_159 : vector<1x64x64xf32> to vector<64x64xf32>
    %dot_general3A_161 = arith.constant dense<0.000000e+00> : vector<64x64xf32>
    %dot_general3A_162 = tpu.matmul %select_n3A_155, %get3A_160, %dot_general3A_161 {dimension_numbers = #tpu.dot_dimension_numbers<[1], [0], [0], [1], [0, 0, 1, 1], [], []>, transpose_lhs_hint = false} : vector<64x64xf32>, vector<64x64xf32>, vector<64x64xf32> -> vector<64x64xf32>
    %add3A_163 = arith.addf %add3A_136, %dot_general3A_162 : vector<64x64xf32>
    %get3A_164 = arith.constant 0 : index
    %get3A_165 = arith.constant 6 : index
    %get3A_166 = vector.load %arg2[%get3A_164, %get3A_165] : memref<64x32xi32, #tpu.memory_space<vmem>>, vector<64x1xi32>
    %ne3A_167 = arith.constant 0 : i32
    %ne3A_168 = vector.broadcast %ne3A_167 : i32 to vector<64x1xi32>
    %ne3A_169 = arith.cmpi ne, %get3A_166, %ne3A_168 : vector<64x1xi32>
    %get3A_170 = arith.constant 0 : index
    %get3A_171 = arith.constant 6 : index
    %get3A_172 = arith.constant 64 : index
    %get3A_173 = vector.load %arg1[%get3A_170, %get3A_171, %get3A_172] : memref<64x32x128xf32, #tpu.memory_space<vmem>>, vector<64x1x64xf32>
    %get3A_174 = vector.shape_cast %get3A_173 : vector<64x1x64xf32> to vector<64x64xf32>
    %get3A_175 = arith.constant 0 : index
    %get3A_176 = arith.constant 6 : index
    %get3A_177 = arith.constant 0 : index
    %get3A_178 = vector.load %arg1[%get3A_175, %get3A_176, %get3A_177] : memref<64x32x128xf32, #tpu.memory_space<vmem>>, vector<64x1x64xf32>
    %get3A_179 = vector.shape_cast %get3A_178 : vector<64x1x64xf32> to vector<64x64xf32>
    %broadcast_in_dim3A_180 = vector.shape_cast %ne3A_169 : vector<64x1xi1> to vector<64x1xi1>
    %broadcast_in_dim3A_181 = vector.broadcast %broadcast_in_dim3A_180 : vector<64x1xi1> to vector<64x64xi1>
    %select_n3A_182 = arith.select %broadcast_in_dim3A_181, %get3A_174, %get3A_179 : vector<64x64xi1>, vector<64x64xf32>
    %get3A_183 = arith.constant 6 : index
    %get3A_184 = arith.constant 0 : index
    %get3A_185 = arith.constant 0 : index
    %get3A_186 = vector.load %arg4[%get3A_183, %get3A_184, %get3A_185] : memref<32x64x64xf32, #tpu.memory_space<vmem>>, vector<1x64x64xf32>
    %get3A_187 = vector.shape_cast %get3A_186 : vector<1x64x64xf32> to vector<64x64xf32>
    %dot_general3A_188 = arith.constant dense<0.000000e+00> : vector<64x64xf32>
    %dot_general3A_189 = tpu.matmul %select_n3A_182, %get3A_187, %dot_general3A_188 {dimension_numbers = #tpu.dot_dimension_numbers<[1], [0], [0], [1], [0, 0, 1, 1], [], []>, transpose_lhs_hint = false} : vector<64x64xf32>, vector<64x64xf32>, vector<64x64xf32> -> vector<64x64xf32>
    %add3A_190 = arith.addf %add3A_163, %dot_general3A_189 : vector<64x64xf32>
    %get3A_191 = arith.constant 0 : index
    %get3A_192 = arith.constant 7 : index
    %get3A_193 = vector.load %arg2[%get3A_191, %get3A_192] : memref<64x32xi32, #tpu.memory_space<vmem>>, vector<64x1xi32>
    %ne3A_194 = arith.constant 0 : i32
    %ne3A_195 = vector.broadcast %ne3A_194 : i32 to vector<64x1xi32>
    %ne3A_196 = arith.cmpi ne, %get3A_193, %ne3A_195 : vector<64x1xi32>
    %get3A_197 = arith.constant 0 : index
    %get3A_198 = arith.constant 7 : index
    %get3A_199 = arith.constant 64 : index
    %get3A_200 = vector.load %arg1[%get3A_197, %get3A_198, %get3A_199] : memref<64x32x128xf32, #tpu.memory_space<vmem>>, vector<64x1x64xf32>
    %get3A_201 = vector.shape_cast %get3A_200 : vector<64x1x64xf32> to vector<64x64xf32>
    %get3A_202 = arith.constant 0 : index
    %get3A_203 = arith.constant 7 : index
    %get3A_204 = arith.constant 0 : index
    %get3A_205 = vector.load %arg1[%get3A_202, %get3A_203, %get3A_204] : memref<64x32x128xf32, #tpu.memory_space<vmem>>, vector<64x1x64xf32>
    %get3A_206 = vector.shape_cast %get3A_205 : vector<64x1x64xf32> to vector<64x64xf32>
    %broadcast_in_dim3A_207 = vector.shape_cast %ne3A_196 : vector<64x1xi1> to vector<64x1xi1>
    %broadcast_in_dim3A_208 = vector.broadcast %broadcast_in_dim3A_207 : vector<64x1xi1> to vector<64x64xi1>
    %select_n3A_209 = arith.select %broadcast_in_dim3A_208, %get3A_201, %get3A_206 : vector<64x64xi1>, vector<64x64xf32>
    %get3A_210 = arith.constant 7 : index
    %get3A_211 = arith.constant 0 : index
    %get3A_212 = arith.constant 0 : index
    %get3A_213 = vector.load %arg4[%get3A_210, %get3A_211, %get3A_212] : memref<32x64x64xf32, #tpu.memory_space<vmem>>, vector<1x64x64xf32>
    %get3A_214 = vector.shape_cast %get3A_213 : vector<1x64x64xf32> to vector<64x64xf32>
    %dot_general3A_215 = arith.constant dense<0.000000e+00> : vector<64x64xf32>
    %dot_general3A_216 = tpu.matmul %select_n3A_209, %get3A_214, %dot_general3A_215 {dimension_numbers = #tpu.dot_dimension_numbers<[1], [0], [0], [1], [0, 0, 1, 1], [], []>, transpose_lhs_hint = false} : vector<64x64xf32>, vector<64x64xf32>, vector<64x64xf32> -> vector<64x64xf32>
    %add3A_217 = arith.addf %add3A_190, %dot_general3A_216 : vector<64x64xf32>
    %get3A_218 = arith.constant 0 : index
    %get3A_219 = arith.constant 8 : index
    %get3A_220 = vector.load %arg2[%get3A_218, %get3A_219] : memref<64x32xi32, #tpu.memory_space<vmem>>, vector<64x1xi32>
    %ne3A_221 = arith.constant 0 : i32
    %ne3A_222 = vector.broadcast %ne3A_221 : i32 to vector<64x1xi32>
    %ne3A_223 = arith.cmpi ne, %get3A_220, %ne3A_222 : vector<64x1xi32>
    %get3A_224 = arith.constant 0 : index
    %get3A_225 = arith.constant 8 : index
    %get3A_226 = arith.constant 64 : index
    %get3A_227 = vector.load %arg1[%get3A_224, %get3A_225, %get3A_226] : memref<64x32x128xf32, #tpu.memory_space<vmem>>, vector<64x1x64xf32>
    %get3A_228 = vector.shape_cast %get3A_227 : vector<64x1x64xf32> to vector<64x64xf32>
    %get3A_229 = arith.constant 0 : index
    %get3A_230 = arith.constant 8 : index
    %get3A_231 = arith.constant 0 : index
    %get3A_232 = vector.load %arg1[%get3A_229, %get3A_230, %get3A_231] : memref<64x32x128xf32, #tpu.memory_space<vmem>>, vector<64x1x64xf32>
    %get3A_233 = vector.shape_cast %get3A_232 : vector<64x1x64xf32> to vector<64x64xf32>
    %broadcast_in_dim3A_234 = vector.shape_cast %ne3A_223 : vector<64x1xi1> to vector<64x1xi1>
    %broadcast_in_dim3A_235 = vector.broadcast %broadcast_in_dim3A_234 : vector<64x1xi1> to vector<64x64xi1>
    %select_n3A_236 = arith.select %broadcast_in_dim3A_235, %get3A_228, %get3A_233 : vector<64x64xi1>, vector<64x64xf32>
    %get3A_237 = arith.constant 8 : index
    %get3A_238 = arith.constant 0 : index
    %get3A_239 = arith.constant 0 : index
    %get3A_240 = vector.load %arg4[%get3A_237, %get3A_238, %get3A_239] : memref<32x64x64xf32, #tpu.memory_space<vmem>>, vector<1x64x64xf32>
    %get3A_241 = vector.shape_cast %get3A_240 : vector<1x64x64xf32> to vector<64x64xf32>
    %dot_general3A_242 = arith.constant dense<0.000000e+00> : vector<64x64xf32>
    %dot_general3A_243 = tpu.matmul %select_n3A_236, %get3A_241, %dot_general3A_242 {dimension_numbers = #tpu.dot_dimension_numbers<[1], [0], [0], [1], [0, 0, 1, 1], [], []>, transpose_lhs_hint = false} : vector<64x64xf32>, vector<64x64xf32>, vector<64x64xf32> -> vector<64x64xf32>
    %add3A_244 = arith.addf %add3A_217, %dot_general3A_243 : vector<64x64xf32>
    %get3A_245 = arith.constant 0 : index
    %get3A_246 = arith.constant 9 : index
    %get3A_247 = vector.load %arg2[%get3A_245, %get3A_246] : memref<64x32xi32, #tpu.memory_space<vmem>>, vector<64x1xi32>
    %ne3A_248 = arith.constant 0 : i32
    %ne3A_249 = vector.broadcast %ne3A_248 : i32 to vector<64x1xi32>
    %ne3A_250 = arith.cmpi ne, %get3A_247, %ne3A_249 : vector<64x1xi32>
    %get3A_251 = arith.constant 0 : index
    %get3A_252 = arith.constant 9 : index
    %get3A_253 = arith.constant 64 : index
    %get3A_254 = vector.load %arg1[%get3A_251, %get3A_252, %get3A_253] : memref<64x32x128xf32, #tpu.memory_space<vmem>>, vector<64x1x64xf32>
    %get3A_255 = vector.shape_cast %get3A_254 : vector<64x1x64xf32> to vector<64x64xf32>
    %get3A_256 = arith.constant 0 : index
    %get3A_257 = arith.constant 9 : index
    %get3A_258 = arith.constant 0 : index
    %get3A_259 = vector.load %arg1[%get3A_256, %get3A_257, %get3A_258] : memref<64x32x128xf32, #tpu.memory_space<vmem>>, vector<64x1x64xf32>
    %get3A_260 = vector.shape_cast %get3A_259 : vector<64x1x64xf32> to vector<64x64xf32>
    %broadcast_in_dim3A_261 = vector.shape_cast %ne3A_250 : vector<64x1xi1> to vector<64x1xi1>
    %broadcast_in_dim3A_262 = vector.broadcast %broadcast_in_dim3A_261 : vector<64x1xi1> to vector<64x64xi1>
    %select_n3A_263 = arith.select %broadcast_in_dim3A_262, %get3A_255, %get3A_260 : vector<64x64xi1>, vector<64x64xf32>
    %get3A_264 = arith.constant 9 : index
    %get3A_265 = arith.constant 0 : index
    %get3A_266 = arith.constant 0 : index
    %get3A_267 = vector.load %arg4[%get3A_264, %get3A_265, %get3A_266] : memref<32x64x64xf32, #tpu.memory_space<vmem>>, vector<1x64x64xf32>
    %get3A_268 = vector.shape_cast %get3A_267 : vector<1x64x64xf32> to vector<64x64xf32>
    %dot_general3A_269 = arith.constant dense<0.000000e+00> : vector<64x64xf32>
    %dot_general3A_270 = tpu.matmul %select_n3A_263, %get3A_268, %dot_general3A_269 {dimension_numbers = #tpu.dot_dimension_numbers<[1], [0], [0], [1], [0, 0, 1, 1], [], []>, transpose_lhs_hint = false} : vector<64x64xf32>, vector<64x64xf32>, vector<64x64xf32> -> vector<64x64xf32>
    %add3A_271 = arith.addf %add3A_244, %dot_general3A_270 : vector<64x64xf32>
    %get3A_272 = arith.constant 0 : index
    %get3A_273 = arith.constant 10 : index
    %get3A_274 = vector.load %arg2[%get3A_272, %get3A_273] : memref<64x32xi32, #tpu.memory_space<vmem>>, vector<64x1xi32>
    %ne3A_275 = arith.constant 0 : i32
    %ne3A_276 = vector.broadcast %ne3A_275 : i32 to vector<64x1xi32>
    %ne3A_277 = arith.cmpi ne, %get3A_274, %ne3A_276 : vector<64x1xi32>
    %get3A_278 = arith.constant 0 : index
    %get3A_279 = arith.constant 10 : index
    %get3A_280 = arith.constant 64 : index
    %get3A_281 = vector.load %arg1[%get3A_278, %get3A_279, %get3A_280] : memref<64x32x128xf32, #tpu.memory_space<vmem>>, vector<64x1x64xf32>
    %get3A_282 = vector.shape_cast %get3A_281 : vector<64x1x64xf32> to vector<64x64xf32>
    %get3A_283 = arith.constant 0 : index
    %get3A_284 = arith.constant 10 : index
    %get3A_285 = arith.constant 0 : index
    %get3A_286 = vector.load %arg1[%get3A_283, %get3A_284, %get3A_285] : memref<64x32x128xf32, #tpu.memory_space<vmem>>, vector<64x1x64xf32>
    %get3A_287 = vector.shape_cast %get3A_286 : vector<64x1x64xf32> to vector<64x64xf32>
    %broadcast_in_dim3A_288 = vector.shape_cast %ne3A_277 : vector<64x1xi1> to vector<64x1xi1>
    %broadcast_in_dim3A_289 = vector.broadcast %broadcast_in_dim3A_288 : vector<64x1xi1> to vector<64x64xi1>
    %select_n3A_290 = arith.select %broadcast_in_dim3A_289, %get3A_282, %get3A_287 : vector<64x64xi1>, vector<64x64xf32>
    %get3A_291 = arith.constant 10 : index
    %get3A_292 = arith.constant 0 : index
    %get3A_293 = arith.constant 0 : index
    %get3A_294 = vector.load %arg4[%get3A_291, %get3A_292, %get3A_293] : memref<32x64x64xf32, #tpu.memory_space<vmem>>, vector<1x64x64xf32>
    %get3A_295 = vector.shape_cast %get3A_294 : vector<1x64x64xf32> to vector<64x64xf32>
    %dot_general3A_296 = arith.constant dense<0.000000e+00> : vector<64x64xf32>
    %dot_general3A_297 = tpu.matmul %select_n3A_290, %get3A_295, %dot_general3A_296 {dimension_numbers = #tpu.dot_dimension_numbers<[1], [0], [0], [1], [0, 0, 1, 1], [], []>, transpose_lhs_hint = false} : vector<64x64xf32>, vector<64x64xf32>, vector<64x64xf32> -> vector<64x64xf32>
    %add3A_298 = arith.addf %add3A_271, %dot_general3A_297 : vector<64x64xf32>
    %get3A_299 = arith.constant 0 : index
    %get3A_300 = arith.constant 11 : index
    %get3A_301 = vector.load %arg2[%get3A_299, %get3A_300] : memref<64x32xi32, #tpu.memory_space<vmem>>, vector<64x1xi32>
    %ne3A_302 = arith.constant 0 : i32
    %ne3A_303 = vector.broadcast %ne3A_302 : i32 to vector<64x1xi32>
    %ne3A_304 = arith.cmpi ne, %get3A_301, %ne3A_303 : vector<64x1xi32>
    %get3A_305 = arith.constant 0 : index
    %get3A_306 = arith.constant 11 : index
    %get3A_307 = arith.constant 64 : index
    %get3A_308 = vector.load %arg1[%get3A_305, %get3A_306, %get3A_307] : memref<64x32x128xf32, #tpu.memory_space<vmem>>, vector<64x1x64xf32>
    %get3A_309 = vector.shape_cast %get3A_308 : vector<64x1x64xf32> to vector<64x64xf32>
    %get3A_310 = arith.constant 0 : index
    %get3A_311 = arith.constant 11 : index
    %get3A_312 = arith.constant 0 : index
    %get3A_313 = vector.load %arg1[%get3A_310, %get3A_311, %get3A_312] : memref<64x32x128xf32, #tpu.memory_space<vmem>>, vector<64x1x64xf32>
    %get3A_314 = vector.shape_cast %get3A_313 : vector<64x1x64xf32> to vector<64x64xf32>
    %broadcast_in_dim3A_315 = vector.shape_cast %ne3A_304 : vector<64x1xi1> to vector<64x1xi1>
    %broadcast_in_dim3A_316 = vector.broadcast %broadcast_in_dim3A_315 : vector<64x1xi1> to vector<64x64xi1>
    %select_n3A_317 = arith.select %broadcast_in_dim3A_316, %get3A_309, %get3A_314 : vector<64x64xi1>, vector<64x64xf32>
    %get3A_318 = arith.constant 11 : index
    %get3A_319 = arith.constant 0 : index
    %get3A_320 = arith.constant 0 : index
    %get3A_321 = vector.load %arg4[%get3A_318, %get3A_319, %get3A_320] : memref<32x64x64xf32, #tpu.memory_space<vmem>>, vector<1x64x64xf32>
    %get3A_322 = vector.shape_cast %get3A_321 : vector<1x64x64xf32> to vector<64x64xf32>
    %dot_general3A_323 = arith.constant dense<0.000000e+00> : vector<64x64xf32>
    %dot_general3A_324 = tpu.matmul %select_n3A_317, %get3A_322, %dot_general3A_323 {dimension_numbers = #tpu.dot_dimension_numbers<[1], [0], [0], [1], [0, 0, 1, 1], [], []>, transpose_lhs_hint = false} : vector<64x64xf32>, vector<64x64xf32>, vector<64x64xf32> -> vector<64x64xf32>
    %add3A_325 = arith.addf %add3A_298, %dot_general3A_324 : vector<64x64xf32>
    %get3A_326 = arith.constant 0 : index
    %get3A_327 = arith.constant 12 : index
    %get3A_328 = vector.load %arg2[%get3A_326, %get3A_327] : memref<64x32xi32, #tpu.memory_space<vmem>>, vector<64x1xi32>
    %ne3A_329 = arith.constant 0 : i32
    %ne3A_330 = vector.broadcast %ne3A_329 : i32 to vector<64x1xi32>
    %ne3A_331 = arith.cmpi ne, %get3A_328, %ne3A_330 : vector<64x1xi32>
    %get3A_332 = arith.constant 0 : index
    %get3A_333 = arith.constant 12 : index
    %get3A_334 = arith.constant 64 : index
    %get3A_335 = vector.load %arg1[%get3A_332, %get3A_333, %get3A_334] : memref<64x32x128xf32, #tpu.memory_space<vmem>>, vector<64x1x64xf32>
    %get3A_336 = vector.shape_cast %get3A_335 : vector<64x1x64xf32> to vector<64x64xf32>
    %get3A_337 = arith.constant 0 : index
    %get3A_338 = arith.constant 12 : index
    %get3A_339 = arith.constant 0 : index
    %get3A_340 = vector.load %arg1[%get3A_337, %get3A_338, %get3A_339] : memref<64x32x128xf32, #tpu.memory_space<vmem>>, vector<64x1x64xf32>
    %get3A_341 = vector.shape_cast %get3A_340 : vector<64x1x64xf32> to vector<64x64xf32>
    %broadcast_in_dim3A_342 = vector.shape_cast %ne3A_331 : vector<64x1xi1> to vector<64x1xi1>
    %broadcast_in_dim3A_343 = vector.broadcast %broadcast_in_dim3A_342 : vector<64x1xi1> to vector<64x64xi1>
    %select_n3A_344 = arith.select %broadcast_in_dim3A_343, %get3A_336, %get3A_341 : vector<64x64xi1>, vector<64x64xf32>
    %get3A_345 = arith.constant 12 : index
    %get3A_346 = arith.constant 0 : index
    %get3A_347 = arith.constant 0 : index
    %get3A_348 = vector.load %arg4[%get3A_345, %get3A_346, %get3A_347] : memref<32x64x64xf32, #tpu.memory_space<vmem>>, vector<1x64x64xf32>
    %get3A_349 = vector.shape_cast %get3A_348 : vector<1x64x64xf32> to vector<64x64xf32>
    %dot_general3A_350 = arith.constant dense<0.000000e+00> : vector<64x64xf32>
    %dot_general3A_351 = tpu.matmul %select_n3A_344, %get3A_349, %dot_general3A_350 {dimension_numbers = #tpu.dot_dimension_numbers<[1], [0], [0], [1], [0, 0, 1, 1], [], []>, transpose_lhs_hint = false} : vector<64x64xf32>, vector<64x64xf32>, vector<64x64xf32> -> vector<64x64xf32>
    %add3A_352 = arith.addf %add3A_325, %dot_general3A_351 : vector<64x64xf32>
    %get3A_353 = arith.constant 0 : index
    %get3A_354 = arith.constant 13 : index
    %get3A_355 = vector.load %arg2[%get3A_353, %get3A_354] : memref<64x32xi32, #tpu.memory_space<vmem>>, vector<64x1xi32>
    %ne3A_356 = arith.constant 0 : i32
    %ne3A_357 = vector.broadcast %ne3A_356 : i32 to vector<64x1xi32>
    %ne3A_358 = arith.cmpi ne, %get3A_355, %ne3A_357 : vector<64x1xi32>
    %get3A_359 = arith.constant 0 : index
    %get3A_360 = arith.constant 13 : index
    %get3A_361 = arith.constant 64 : index
    %get3A_362 = vector.load %arg1[%get3A_359, %get3A_360, %get3A_361] : memref<64x32x128xf32, #tpu.memory_space<vmem>>, vector<64x1x64xf32>
    %get3A_363 = vector.shape_cast %get3A_362 : vector<64x1x64xf32> to vector<64x64xf32>
    %get3A_364 = arith.constant 0 : index
    %get3A_365 = arith.constant 13 : index
    %get3A_366 = arith.constant 0 : index
    %get3A_367 = vector.load %arg1[%get3A_364, %get3A_365, %get3A_366] : memref<64x32x128xf32, #tpu.memory_space<vmem>>, vector<64x1x64xf32>
    %get3A_368 = vector.shape_cast %get3A_367 : vector<64x1x64xf32> to vector<64x64xf32>
    %broadcast_in_dim3A_369 = vector.shape_cast %ne3A_358 : vector<64x1xi1> to vector<64x1xi1>
    %broadcast_in_dim3A_370 = vector.broadcast %broadcast_in_dim3A_369 : vector<64x1xi1> to vector<64x64xi1>
    %select_n3A_371 = arith.select %broadcast_in_dim3A_370, %get3A_363, %get3A_368 : vector<64x64xi1>, vector<64x64xf32>
    %get3A_372 = arith.constant 13 : index
    %get3A_373 = arith.constant 0 : index
    %get3A_374 = arith.constant 0 : index
    %get3A_375 = vector.load %arg4[%get3A_372, %get3A_373, %get3A_374] : memref<32x64x64xf32, #tpu.memory_space<vmem>>, vector<1x64x64xf32>
    %get3A_376 = vector.shape_cast %get3A_375 : vector<1x64x64xf32> to vector<64x64xf32>
    %dot_general3A_377 = arith.constant dense<0.000000e+00> : vector<64x64xf32>
    %dot_general3A_378 = tpu.matmul %select_n3A_371, %get3A_376, %dot_general3A_377 {dimension_numbers = #tpu.dot_dimension_numbers<[1], [0], [0], [1], [0, 0, 1, 1], [], []>, transpose_lhs_hint = false} : vector<64x64xf32>, vector<64x64xf32>, vector<64x64xf32> -> vector<64x64xf32>
    %add3A_379 = arith.addf %add3A_352, %dot_general3A_378 : vector<64x64xf32>
    %get3A_380 = arith.constant 0 : index
    %get3A_381 = arith.constant 14 : index
    %get3A_382 = vector.load %arg2[%get3A_380, %get3A_381] : memref<64x32xi32, #tpu.memory_space<vmem>>, vector<64x1xi32>
    %ne3A_383 = arith.constant 0 : i32
    %ne3A_384 = vector.broadcast %ne3A_383 : i32 to vector<64x1xi32>
    %ne3A_385 = arith.cmpi ne, %get3A_382, %ne3A_384 : vector<64x1xi32>
    %get3A_386 = arith.constant 0 : index
    %get3A_387 = arith.constant 14 : index
    %get3A_388 = arith.constant 64 : index
    %get3A_389 = vector.load %arg1[%get3A_386, %get3A_387, %get3A_388] : memref<64x32x128xf32, #tpu.memory_space<vmem>>, vector<64x1x64xf32>
    %get3A_390 = vector.shape_cast %get3A_389 : vector<64x1x64xf32> to vector<64x64xf32>
    %get3A_391 = arith.constant 0 : index
    %get3A_392 = arith.constant 14 : index
    %get3A_393 = arith.constant 0 : index
    %get3A_394 = vector.load %arg1[%get3A_391, %get3A_392, %get3A_393] : memref<64x32x128xf32, #tpu.memory_space<vmem>>, vector<64x1x64xf32>
    %get3A_395 = vector.shape_cast %get3A_394 : vector<64x1x64xf32> to vector<64x64xf32>
    %broadcast_in_dim3A_396 = vector.shape_cast %ne3A_385 : vector<64x1xi1> to vector<64x1xi1>
    %broadcast_in_dim3A_397 = vector.broadcast %broadcast_in_dim3A_396 : vector<64x1xi1> to vector<64x64xi1>
    %select_n3A_398 = arith.select %broadcast_in_dim3A_397, %get3A_390, %get3A_395 : vector<64x64xi1>, vector<64x64xf32>
    %get3A_399 = arith.constant 14 : index
    %get3A_400 = arith.constant 0 : index
    %get3A_401 = arith.constant 0 : index
    %get3A_402 = vector.load %arg4[%get3A_399, %get3A_400, %get3A_401] : memref<32x64x64xf32, #tpu.memory_space<vmem>>, vector<1x64x64xf32>
    %get3A_403 = vector.shape_cast %get3A_402 : vector<1x64x64xf32> to vector<64x64xf32>
    %dot_general3A_404 = arith.constant dense<0.000000e+00> : vector<64x64xf32>
    %dot_general3A_405 = tpu.matmul %select_n3A_398, %get3A_403, %dot_general3A_404 {dimension_numbers = #tpu.dot_dimension_numbers<[1], [0], [0], [1], [0, 0, 1, 1], [], []>, transpose_lhs_hint = false} : vector<64x64xf32>, vector<64x64xf32>, vector<64x64xf32> -> vector<64x64xf32>
    %add3A_406 = arith.addf %add3A_379, %dot_general3A_405 : vector<64x64xf32>
    %get3A_407 = arith.constant 0 : index
    %get3A_408 = arith.constant 15 : index
    %get3A_409 = vector.load %arg2[%get3A_407, %get3A_408] : memref<64x32xi32, #tpu.memory_space<vmem>>, vector<64x1xi32>
    %ne3A_410 = arith.constant 0 : i32
    %ne3A_411 = vector.broadcast %ne3A_410 : i32 to vector<64x1xi32>
    %ne3A_412 = arith.cmpi ne, %get3A_409, %ne3A_411 : vector<64x1xi32>
    %get3A_413 = arith.constant 0 : index
    %get3A_414 = arith.constant 15 : index
    %get3A_415 = arith.constant 64 : index
    %get3A_416 = vector.load %arg1[%get3A_413, %get3A_414, %get3A_415] : memref<64x32x128xf32, #tpu.memory_space<vmem>>, vector<64x1x64xf32>
    %get3A_417 = vector.shape_cast %get3A_416 : vector<64x1x64xf32> to vector<64x64xf32>
    %get3A_418 = arith.constant 0 : index
    %get3A_419 = arith.constant 15 : index
    %get3A_420 = arith.constant 0 : index
    %get3A_421 = vector.load %arg1[%get3A_418, %get3A_419, %get3A_420] : memref<64x32x128xf32, #tpu.memory_space<vmem>>, vector<64x1x64xf32>
    %get3A_422 = vector.shape_cast %get3A_421 : vector<64x1x64xf32> to vector<64x64xf32>
    %broadcast_in_dim3A_423 = vector.shape_cast %ne3A_412 : vector<64x1xi1> to vector<64x1xi1>
    %broadcast_in_dim3A_424 = vector.broadcast %broadcast_in_dim3A_423 : vector<64x1xi1> to vector<64x64xi1>
    %select_n3A_425 = arith.select %broadcast_in_dim3A_424, %get3A_417, %get3A_422 : vector<64x64xi1>, vector<64x64xf32>
    %get3A_426 = arith.constant 15 : index
    %get3A_427 = arith.constant 0 : index
    %get3A_428 = arith.constant 0 : index
    %get3A_429 = vector.load %arg4[%get3A_426, %get3A_427, %get3A_428] : memref<32x64x64xf32, #tpu.memory_space<vmem>>, vector<1x64x64xf32>
    %get3A_430 = vector.shape_cast %get3A_429 : vector<1x64x64xf32> to vector<64x64xf32>
    %dot_general3A_431 = arith.constant dense<0.000000e+00> : vector<64x64xf32>
    %dot_general3A_432 = tpu.matmul %select_n3A_425, %get3A_430, %dot_general3A_431 {dimension_numbers = #tpu.dot_dimension_numbers<[1], [0], [0], [1], [0, 0, 1, 1], [], []>, transpose_lhs_hint = false} : vector<64x64xf32>, vector<64x64xf32>, vector<64x64xf32> -> vector<64x64xf32>
    %add3A_433 = arith.addf %add3A_406, %dot_general3A_432 : vector<64x64xf32>
    %get3A_434 = arith.constant 0 : index
    %get3A_435 = arith.constant 16 : index
    %get3A_436 = vector.load %arg2[%get3A_434, %get3A_435] : memref<64x32xi32, #tpu.memory_space<vmem>>, vector<64x1xi32>
    %ne3A_437 = arith.constant 0 : i32
    %ne3A_438 = vector.broadcast %ne3A_437 : i32 to vector<64x1xi32>
    %ne3A_439 = arith.cmpi ne, %get3A_436, %ne3A_438 : vector<64x1xi32>
    %get3A_440 = arith.constant 0 : index
    %get3A_441 = arith.constant 16 : index
    %get3A_442 = arith.constant 64 : index
    %get3A_443 = vector.load %arg1[%get3A_440, %get3A_441, %get3A_442] : memref<64x32x128xf32, #tpu.memory_space<vmem>>, vector<64x1x64xf32>
    %get3A_444 = vector.shape_cast %get3A_443 : vector<64x1x64xf32> to vector<64x64xf32>
    %get3A_445 = arith.constant 0 : index
    %get3A_446 = arith.constant 16 : index
    %get3A_447 = arith.constant 0 : index
    %get3A_448 = vector.load %arg1[%get3A_445, %get3A_446, %get3A_447] : memref<64x32x128xf32, #tpu.memory_space<vmem>>, vector<64x1x64xf32>
    %get3A_449 = vector.shape_cast %get3A_448 : vector<64x1x64xf32> to vector<64x64xf32>
    %broadcast_in_dim3A_450 = vector.shape_cast %ne3A_439 : vector<64x1xi1> to vector<64x1xi1>
    %broadcast_in_dim3A_451 = vector.broadcast %broadcast_in_dim3A_450 : vector<64x1xi1> to vector<64x64xi1>
    %select_n3A_452 = arith.select %broadcast_in_dim3A_451, %get3A_444, %get3A_449 : vector<64x64xi1>, vector<64x64xf32>
    %get3A_453 = arith.constant 16 : index
    %get3A_454 = arith.constant 0 : index
    %get3A_455 = arith.constant 0 : index
    %get3A_456 = vector.load %arg4[%get3A_453, %get3A_454, %get3A_455] : memref<32x64x64xf32, #tpu.memory_space<vmem>>, vector<1x64x64xf32>
    %get3A_457 = vector.shape_cast %get3A_456 : vector<1x64x64xf32> to vector<64x64xf32>
    %dot_general3A_458 = arith.constant dense<0.000000e+00> : vector<64x64xf32>
    %dot_general3A_459 = tpu.matmul %select_n3A_452, %get3A_457, %dot_general3A_458 {dimension_numbers = #tpu.dot_dimension_numbers<[1], [0], [0], [1], [0, 0, 1, 1], [], []>, transpose_lhs_hint = false} : vector<64x64xf32>, vector<64x64xf32>, vector<64x64xf32> -> vector<64x64xf32>
    %add3A_460 = arith.addf %add3A_433, %dot_general3A_459 : vector<64x64xf32>
    %get3A_461 = arith.constant 0 : index
    %get3A_462 = arith.constant 17 : index
    %get3A_463 = vector.load %arg2[%get3A_461, %get3A_462] : memref<64x32xi32, #tpu.memory_space<vmem>>, vector<64x1xi32>
    %ne3A_464 = arith.constant 0 : i32
    %ne3A_465 = vector.broadcast %ne3A_464 : i32 to vector<64x1xi32>
    %ne3A_466 = arith.cmpi ne, %get3A_463, %ne3A_465 : vector<64x1xi32>
    %get3A_467 = arith.constant 0 : index
    %get3A_468 = arith.constant 17 : index
    %get3A_469 = arith.constant 64 : index
    %get3A_470 = vector.load %arg1[%get3A_467, %get3A_468, %get3A_469] : memref<64x32x128xf32, #tpu.memory_space<vmem>>, vector<64x1x64xf32>
    %get3A_471 = vector.shape_cast %get3A_470 : vector<64x1x64xf32> to vector<64x64xf32>
    %get3A_472 = arith.constant 0 : index
    %get3A_473 = arith.constant 17 : index
    %get3A_474 = arith.constant 0 : index
    %get3A_475 = vector.load %arg1[%get3A_472, %get3A_473, %get3A_474] : memref<64x32x128xf32, #tpu.memory_space<vmem>>, vector<64x1x64xf32>
    %get3A_476 = vector.shape_cast %get3A_475 : vector<64x1x64xf32> to vector<64x64xf32>
    %broadcast_in_dim3A_477 = vector.shape_cast %ne3A_466 : vector<64x1xi1> to vector<64x1xi1>
    %broadcast_in_dim3A_478 = vector.broadcast %broadcast_in_dim3A_477 : vector<64x1xi1> to vector<64x64xi1>
    %select_n3A_479 = arith.select %broadcast_in_dim3A_478, %get3A_471, %get3A_476 : vector<64x64xi1>, vector<64x64xf32>
    %get3A_480 = arith.constant 17 : index
    %get3A_481 = arith.constant 0 : index
    %get3A_482 = arith.constant 0 : index
    %get3A_483 = vector.load %arg4[%get3A_480, %get3A_481, %get3A_482] : memref<32x64x64xf32, #tpu.memory_space<vmem>>, vector<1x64x64xf32>
    %get3A_484 = vector.shape_cast %get3A_483 : vector<1x64x64xf32> to vector<64x64xf32>
    %dot_general3A_485 = arith.constant dense<0.000000e+00> : vector<64x64xf32>
    %dot_general3A_486 = tpu.matmul %select_n3A_479, %get3A_484, %dot_general3A_485 {dimension_numbers = #tpu.dot_dimension_numbers<[1], [0], [0], [1], [0, 0, 1, 1], [], []>, transpose_lhs_hint = false} : vector<64x64xf32>, vector<64x64xf32>, vector<64x64xf32> -> vector<64x64xf32>
    %add3A_487 = arith.addf %add3A_460, %dot_general3A_486 : vector<64x64xf32>
    %get3A_488 = arith.constant 0 : index
    %get3A_489 = arith.constant 18 : index
    %get3A_490 = vector.load %arg2[%get3A_488, %get3A_489] : memref<64x32xi32, #tpu.memory_space<vmem>>, vector<64x1xi32>
    %ne3A_491 = arith.constant 0 : i32
    %ne3A_492 = vector.broadcast %ne3A_491 : i32 to vector<64x1xi32>
    %ne3A_493 = arith.cmpi ne, %get3A_490, %ne3A_492 : vector<64x1xi32>
    %get3A_494 = arith.constant 0 : index
    %get3A_495 = arith.constant 18 : index
    %get3A_496 = arith.constant 64 : index
    %get3A_497 = vector.load %arg1[%get3A_494, %get3A_495, %get3A_496] : memref<64x32x128xf32, #tpu.memory_space<vmem>>, vector<64x1x64xf32>
    %get3A_498 = vector.shape_cast %get3A_497 : vector<64x1x64xf32> to vector<64x64xf32>
    %get3A_499 = arith.constant 0 : index
    %get3A_500 = arith.constant 18 : index
    %get3A_501 = arith.constant 0 : index
    %get3A_502 = vector.load %arg1[%get3A_499, %get3A_500, %get3A_501] : memref<64x32x128xf32, #tpu.memory_space<vmem>>, vector<64x1x64xf32>
    %get3A_503 = vector.shape_cast %get3A_502 : vector<64x1x64xf32> to vector<64x64xf32>
    %broadcast_in_dim3A_504 = vector.shape_cast %ne3A_493 : vector<64x1xi1> to vector<64x1xi1>
    %broadcast_in_dim3A_505 = vector.broadcast %broadcast_in_dim3A_504 : vector<64x1xi1> to vector<64x64xi1>
    %select_n3A_506 = arith.select %broadcast_in_dim3A_505, %get3A_498, %get3A_503 : vector<64x64xi1>, vector<64x64xf32>
    %get3A_507 = arith.constant 18 : index
    %get3A_508 = arith.constant 0 : index
    %get3A_509 = arith.constant 0 : index
    %get3A_510 = vector.load %arg4[%get3A_507, %get3A_508, %get3A_509] : memref<32x64x64xf32, #tpu.memory_space<vmem>>, vector<1x64x64xf32>
    %get3A_511 = vector.shape_cast %get3A_510 : vector<1x64x64xf32> to vector<64x64xf32>
    %dot_general3A_512 = arith.constant dense<0.000000e+00> : vector<64x64xf32>
    %dot_general3A_513 = tpu.matmul %select_n3A_506, %get3A_511, %dot_general3A_512 {dimension_numbers = #tpu.dot_dimension_numbers<[1], [0], [0], [1], [0, 0, 1, 1], [], []>, transpose_lhs_hint = false} : vector<64x64xf32>, vector<64x64xf32>, vector<64x64xf32> -> vector<64x64xf32>
    %add3A_514 = arith.addf %add3A_487, %dot_general3A_513 : vector<64x64xf32>
    %get3A_515 = arith.constant 0 : index
    %get3A_516 = arith.constant 19 : index
    %get3A_517 = vector.load %arg2[%get3A_515, %get3A_516] : memref<64x32xi32, #tpu.memory_space<vmem>>, vector<64x1xi32>
    %ne3A_518 = arith.constant 0 : i32
    %ne3A_519 = vector.broadcast %ne3A_518 : i32 to vector<64x1xi32>
    %ne3A_520 = arith.cmpi ne, %get3A_517, %ne3A_519 : vector<64x1xi32>
    %get3A_521 = arith.constant 0 : index
    %get3A_522 = arith.constant 19 : index
    %get3A_523 = arith.constant 64 : index
    %get3A_524 = vector.load %arg1[%get3A_521, %get3A_522, %get3A_523] : memref<64x32x128xf32, #tpu.memory_space<vmem>>, vector<64x1x64xf32>
    %get3A_525 = vector.shape_cast %get3A_524 : vector<64x1x64xf32> to vector<64x64xf32>
    %get3A_526 = arith.constant 0 : index
    %get3A_527 = arith.constant 19 : index
    %get3A_528 = arith.constant 0 : index
    %get3A_529 = vector.load %arg1[%get3A_526, %get3A_527, %get3A_528] : memref<64x32x128xf32, #tpu.memory_space<vmem>>, vector<64x1x64xf32>
    %get3A_530 = vector.shape_cast %get3A_529 : vector<64x1x64xf32> to vector<64x64xf32>
    %broadcast_in_dim3A_531 = vector.shape_cast %ne3A_520 : vector<64x1xi1> to vector<64x1xi1>
    %broadcast_in_dim3A_532 = vector.broadcast %broadcast_in_dim3A_531 : vector<64x1xi1> to vector<64x64xi1>
    %select_n3A_533 = arith.select %broadcast_in_dim3A_532, %get3A_525, %get3A_530 : vector<64x64xi1>, vector<64x64xf32>
    %get3A_534 = arith.constant 19 : index
    %get3A_535 = arith.constant 0 : index
    %get3A_536 = arith.constant 0 : index
    %get3A_537 = vector.load %arg4[%get3A_534, %get3A_535, %get3A_536] : memref<32x64x64xf32, #tpu.memory_space<vmem>>, vector<1x64x64xf32>
    %get3A_538 = vector.shape_cast %get3A_537 : vector<1x64x64xf32> to vector<64x64xf32>
    %dot_general3A_539 = arith.constant dense<0.000000e+00> : vector<64x64xf32>
    %dot_general3A_540 = tpu.matmul %select_n3A_533, %get3A_538, %dot_general3A_539 {dimension_numbers = #tpu.dot_dimension_numbers<[1], [0], [0], [1], [0, 0, 1, 1], [], []>, transpose_lhs_hint = false} : vector<64x64xf32>, vector<64x64xf32>, vector<64x64xf32> -> vector<64x64xf32>
    %add3A_541 = arith.addf %add3A_514, %dot_general3A_540 : vector<64x64xf32>
    %get3A_542 = arith.constant 0 : index
    %get3A_543 = arith.constant 20 : index
    %get3A_544 = vector.load %arg2[%get3A_542, %get3A_543] : memref<64x32xi32, #tpu.memory_space<vmem>>, vector<64x1xi32>
    %ne3A_545 = arith.constant 0 : i32
    %ne3A_546 = vector.broadcast %ne3A_545 : i32 to vector<64x1xi32>
    %ne3A_547 = arith.cmpi ne, %get3A_544, %ne3A_546 : vector<64x1xi32>
    %get3A_548 = arith.constant 0 : index
    %get3A_549 = arith.constant 20 : index
    %get3A_550 = arith.constant 64 : index
    %get3A_551 = vector.load %arg1[%get3A_548, %get3A_549, %get3A_550] : memref<64x32x128xf32, #tpu.memory_space<vmem>>, vector<64x1x64xf32>
    %get3A_552 = vector.shape_cast %get3A_551 : vector<64x1x64xf32> to vector<64x64xf32>
    %get3A_553 = arith.constant 0 : index
    %get3A_554 = arith.constant 20 : index
    %get3A_555 = arith.constant 0 : index
    %get3A_556 = vector.load %arg1[%get3A_553, %get3A_554, %get3A_555] : memref<64x32x128xf32, #tpu.memory_space<vmem>>, vector<64x1x64xf32>
    %get3A_557 = vector.shape_cast %get3A_556 : vector<64x1x64xf32> to vector<64x64xf32>
    %broadcast_in_dim3A_558 = vector.shape_cast %ne3A_547 : vector<64x1xi1> to vector<64x1xi1>
    %broadcast_in_dim3A_559 = vector.broadcast %broadcast_in_dim3A_558 : vector<64x1xi1> to vector<64x64xi1>
    %select_n3A_560 = arith.select %broadcast_in_dim3A_559, %get3A_552, %get3A_557 : vector<64x64xi1>, vector<64x64xf32>
    %get3A_561 = arith.constant 20 : index
    %get3A_562 = arith.constant 0 : index
    %get3A_563 = arith.constant 0 : index
    %get3A_564 = vector.load %arg4[%get3A_561, %get3A_562, %get3A_563] : memref<32x64x64xf32, #tpu.memory_space<vmem>>, vector<1x64x64xf32>
    %get3A_565 = vector.shape_cast %get3A_564 : vector<1x64x64xf32> to vector<64x64xf32>
    %dot_general3A_566 = arith.constant dense<0.000000e+00> : vector<64x64xf32>
    %dot_general3A_567 = tpu.matmul %select_n3A_560, %get3A_565, %dot_general3A_566 {dimension_numbers = #tpu.dot_dimension_numbers<[1], [0], [0], [1], [0, 0, 1, 1], [], []>, transpose_lhs_hint = false} : vector<64x64xf32>, vector<64x64xf32>, vector<64x64xf32> -> vector<64x64xf32>
    %add3A_568 = arith.addf %add3A_541, %dot_general3A_567 : vector<64x64xf32>
    %get3A_569 = arith.constant 0 : index
    %get3A_570 = arith.constant 21 : index
    %get3A_571 = vector.load %arg2[%get3A_569, %get3A_570] : memref<64x32xi32, #tpu.memory_space<vmem>>, vector<64x1xi32>
    %ne3A_572 = arith.constant 0 : i32
    %ne3A_573 = vector.broadcast %ne3A_572 : i32 to vector<64x1xi32>
    %ne3A_574 = arith.cmpi ne, %get3A_571, %ne3A_573 : vector<64x1xi32>
    %get3A_575 = arith.constant 0 : index
    %get3A_576 = arith.constant 21 : index
    %get3A_577 = arith.constant 64 : index
    %get3A_578 = vector.load %arg1[%get3A_575, %get3A_576, %get3A_577] : memref<64x32x128xf32, #tpu.memory_space<vmem>>, vector<64x1x64xf32>
    %get3A_579 = vector.shape_cast %get3A_578 : vector<64x1x64xf32> to vector<64x64xf32>
    %get3A_580 = arith.constant 0 : index
    %get3A_581 = arith.constant 21 : index
    %get3A_582 = arith.constant 0 : index
    %get3A_583 = vector.load %arg1[%get3A_580, %get3A_581, %get3A_582] : memref<64x32x128xf32, #tpu.memory_space<vmem>>, vector<64x1x64xf32>
    %get3A_584 = vector.shape_cast %get3A_583 : vector<64x1x64xf32> to vector<64x64xf32>
    %broadcast_in_dim3A_585 = vector.shape_cast %ne3A_574 : vector<64x1xi1> to vector<64x1xi1>
    %broadcast_in_dim3A_586 = vector.broadcast %broadcast_in_dim3A_585 : vector<64x1xi1> to vector<64x64xi1>
    %select_n3A_587 = arith.select %broadcast_in_dim3A_586, %get3A_579, %get3A_584 : vector<64x64xi1>, vector<64x64xf32>
    %get3A_588 = arith.constant 21 : index
    %get3A_589 = arith.constant 0 : index
    %get3A_590 = arith.constant 0 : index
    %get3A_591 = vector.load %arg4[%get3A_588, %get3A_589, %get3A_590] : memref<32x64x64xf32, #tpu.memory_space<vmem>>, vector<1x64x64xf32>
    %get3A_592 = vector.shape_cast %get3A_591 : vector<1x64x64xf32> to vector<64x64xf32>
    %dot_general3A_593 = arith.constant dense<0.000000e+00> : vector<64x64xf32>
    %dot_general3A_594 = tpu.matmul %select_n3A_587, %get3A_592, %dot_general3A_593 {dimension_numbers = #tpu.dot_dimension_numbers<[1], [0], [0], [1], [0, 0, 1, 1], [], []>, transpose_lhs_hint = false} : vector<64x64xf32>, vector<64x64xf32>, vector<64x64xf32> -> vector<64x64xf32>
    %add3A_595 = arith.addf %add3A_568, %dot_general3A_594 : vector<64x64xf32>
    %get3A_596 = arith.constant 0 : index
    %get3A_597 = arith.constant 22 : index
    %get3A_598 = vector.load %arg2[%get3A_596, %get3A_597] : memref<64x32xi32, #tpu.memory_space<vmem>>, vector<64x1xi32>
    %ne3A_599 = arith.constant 0 : i32
    %ne3A_600 = vector.broadcast %ne3A_599 : i32 to vector<64x1xi32>
    %ne3A_601 = arith.cmpi ne, %get3A_598, %ne3A_600 : vector<64x1xi32>
    %get3A_602 = arith.constant 0 : index
    %get3A_603 = arith.constant 22 : index
    %get3A_604 = arith.constant 64 : index
    %get3A_605 = vector.load %arg1[%get3A_602, %get3A_603, %get3A_604] : memref<64x32x128xf32, #tpu.memory_space<vmem>>, vector<64x1x64xf32>
    %get3A_606 = vector.shape_cast %get3A_605 : vector<64x1x64xf32> to vector<64x64xf32>
    %get3A_607 = arith.constant 0 : index
    %get3A_608 = arith.constant 22 : index
    %get3A_609 = arith.constant 0 : index
    %get3A_610 = vector.load %arg1[%get3A_607, %get3A_608, %get3A_609] : memref<64x32x128xf32, #tpu.memory_space<vmem>>, vector<64x1x64xf32>
    %get3A_611 = vector.shape_cast %get3A_610 : vector<64x1x64xf32> to vector<64x64xf32>
    %broadcast_in_dim3A_612 = vector.shape_cast %ne3A_601 : vector<64x1xi1> to vector<64x1xi1>
    %broadcast_in_dim3A_613 = vector.broadcast %broadcast_in_dim3A_612 : vector<64x1xi1> to vector<64x64xi1>
    %select_n3A_614 = arith.select %broadcast_in_dim3A_613, %get3A_606, %get3A_611 : vector<64x64xi1>, vector<64x64xf32>
    %get3A_615 = arith.constant 22 : index
    %get3A_616 = arith.constant 0 : index
    %get3A_617 = arith.constant 0 : index
    %get3A_618 = vector.load %arg4[%get3A_615, %get3A_616, %get3A_617] : memref<32x64x64xf32, #tpu.memory_space<vmem>>, vector<1x64x64xf32>
    %get3A_619 = vector.shape_cast %get3A_618 : vector<1x64x64xf32> to vector<64x64xf32>
    %dot_general3A_620 = arith.constant dense<0.000000e+00> : vector<64x64xf32>
    %dot_general3A_621 = tpu.matmul %select_n3A_614, %get3A_619, %dot_general3A_620 {dimension_numbers = #tpu.dot_dimension_numbers<[1], [0], [0], [1], [0, 0, 1, 1], [], []>, transpose_lhs_hint = false} : vector<64x64xf32>, vector<64x64xf32>, vector<64x64xf32> -> vector<64x64xf32>
    %add3A_622 = arith.addf %add3A_595, %dot_general3A_621 : vector<64x64xf32>
    %get3A_623 = arith.constant 0 : index
    %get3A_624 = arith.constant 23 : index
    %get3A_625 = vector.load %arg2[%get3A_623, %get3A_624] : memref<64x32xi32, #tpu.memory_space<vmem>>, vector<64x1xi32>
    %ne3A_626 = arith.constant 0 : i32
    %ne3A_627 = vector.broadcast %ne3A_626 : i32 to vector<64x1xi32>
    %ne3A_628 = arith.cmpi ne, %get3A_625, %ne3A_627 : vector<64x1xi32>
    %get3A_629 = arith.constant 0 : index
    %get3A_630 = arith.constant 23 : index
    %get3A_631 = arith.constant 64 : index
    %get3A_632 = vector.load %arg1[%get3A_629, %get3A_630, %get3A_631] : memref<64x32x128xf32, #tpu.memory_space<vmem>>, vector<64x1x64xf32>
    %get3A_633 = vector.shape_cast %get3A_632 : vector<64x1x64xf32> to vector<64x64xf32>
    %get3A_634 = arith.constant 0 : index
    %get3A_635 = arith.constant 23 : index
    %get3A_636 = arith.constant 0 : index
    %get3A_637 = vector.load %arg1[%get3A_634, %get3A_635, %get3A_636] : memref<64x32x128xf32, #tpu.memory_space<vmem>>, vector<64x1x64xf32>
    %get3A_638 = vector.shape_cast %get3A_637 : vector<64x1x64xf32> to vector<64x64xf32>
    %broadcast_in_dim3A_639 = vector.shape_cast %ne3A_628 : vector<64x1xi1> to vector<64x1xi1>
    %broadcast_in_dim3A_640 = vector.broadcast %broadcast_in_dim3A_639 : vector<64x1xi1> to vector<64x64xi1>
    %select_n3A_641 = arith.select %broadcast_in_dim3A_640, %get3A_633, %get3A_638 : vector<64x64xi1>, vector<64x64xf32>
    %get3A_642 = arith.constant 23 : index
    %get3A_643 = arith.constant 0 : index
    %get3A_644 = arith.constant 0 : index
    %get3A_645 = vector.load %arg4[%get3A_642, %get3A_643, %get3A_644] : memref<32x64x64xf32, #tpu.memory_space<vmem>>, vector<1x64x64xf32>
    %get3A_646 = vector.shape_cast %get3A_645 : vector<1x64x64xf32> to vector<64x64xf32>
    %dot_general3A_647 = arith.constant dense<0.000000e+00> : vector<64x64xf32>
    %dot_general3A_648 = tpu.matmul %select_n3A_641, %get3A_646, %dot_general3A_647 {dimension_numbers = #tpu.dot_dimension_numbers<[1], [0], [0], [1], [0, 0, 1, 1], [], []>, transpose_lhs_hint = false} : vector<64x64xf32>, vector<64x64xf32>, vector<64x64xf32> -> vector<64x64xf32>
    %add3A_649 = arith.addf %add3A_622, %dot_general3A_648 : vector<64x64xf32>
    %get3A_650 = arith.constant 0 : index
    %get3A_651 = arith.constant 24 : index
    %get3A_652 = vector.load %arg2[%get3A_650, %get3A_651] : memref<64x32xi32, #tpu.memory_space<vmem>>, vector<64x1xi32>
    %ne3A_653 = arith.constant 0 : i32
    %ne3A_654 = vector.broadcast %ne3A_653 : i32 to vector<64x1xi32>
    %ne3A_655 = arith.cmpi ne, %get3A_652, %ne3A_654 : vector<64x1xi32>
    %get3A_656 = arith.constant 0 : index
    %get3A_657 = arith.constant 24 : index
    %get3A_658 = arith.constant 64 : index
    %get3A_659 = vector.load %arg1[%get3A_656, %get3A_657, %get3A_658] : memref<64x32x128xf32, #tpu.memory_space<vmem>>, vector<64x1x64xf32>
    %get3A_660 = vector.shape_cast %get3A_659 : vector<64x1x64xf32> to vector<64x64xf32>
    %get3A_661 = arith.constant 0 : index
    %get3A_662 = arith.constant 24 : index
    %get3A_663 = arith.constant 0 : index
    %get3A_664 = vector.load %arg1[%get3A_661, %get3A_662, %get3A_663] : memref<64x32x128xf32, #tpu.memory_space<vmem>>, vector<64x1x64xf32>
    %get3A_665 = vector.shape_cast %get3A_664 : vector<64x1x64xf32> to vector<64x64xf32>
    %broadcast_in_dim3A_666 = vector.shape_cast %ne3A_655 : vector<64x1xi1> to vector<64x1xi1>
    %broadcast_in_dim3A_667 = vector.broadcast %broadcast_in_dim3A_666 : vector<64x1xi1> to vector<64x64xi1>
    %select_n3A_668 = arith.select %broadcast_in_dim3A_667, %get3A_660, %get3A_665 : vector<64x64xi1>, vector<64x64xf32>
    %get3A_669 = arith.constant 24 : index
    %get3A_670 = arith.constant 0 : index
    %get3A_671 = arith.constant 0 : index
    %get3A_672 = vector.load %arg4[%get3A_669, %get3A_670, %get3A_671] : memref<32x64x64xf32, #tpu.memory_space<vmem>>, vector<1x64x64xf32>
    %get3A_673 = vector.shape_cast %get3A_672 : vector<1x64x64xf32> to vector<64x64xf32>
    %dot_general3A_674 = arith.constant dense<0.000000e+00> : vector<64x64xf32>
    %dot_general3A_675 = tpu.matmul %select_n3A_668, %get3A_673, %dot_general3A_674 {dimension_numbers = #tpu.dot_dimension_numbers<[1], [0], [0], [1], [0, 0, 1, 1], [], []>, transpose_lhs_hint = false} : vector<64x64xf32>, vector<64x64xf32>, vector<64x64xf32> -> vector<64x64xf32>
    %add3A_676 = arith.addf %add3A_649, %dot_general3A_675 : vector<64x64xf32>
    %get3A_677 = arith.constant 0 : index
    %get3A_678 = arith.constant 25 : index
    %get3A_679 = vector.load %arg2[%get3A_677, %get3A_678] : memref<64x32xi32, #tpu.memory_space<vmem>>, vector<64x1xi32>
    %ne3A_680 = arith.constant 0 : i32
    %ne3A_681 = vector.broadcast %ne3A_680 : i32 to vector<64x1xi32>
    %ne3A_682 = arith.cmpi ne, %get3A_679, %ne3A_681 : vector<64x1xi32>
    %get3A_683 = arith.constant 0 : index
    %get3A_684 = arith.constant 25 : index
    %get3A_685 = arith.constant 64 : index
    %get3A_686 = vector.load %arg1[%get3A_683, %get3A_684, %get3A_685] : memref<64x32x128xf32, #tpu.memory_space<vmem>>, vector<64x1x64xf32>
    %get3A_687 = vector.shape_cast %get3A_686 : vector<64x1x64xf32> to vector<64x64xf32>
    %get3A_688 = arith.constant 0 : index
    %get3A_689 = arith.constant 25 : index
    %get3A_690 = arith.constant 0 : index
    %get3A_691 = vector.load %arg1[%get3A_688, %get3A_689, %get3A_690] : memref<64x32x128xf32, #tpu.memory_space<vmem>>, vector<64x1x64xf32>
    %get3A_692 = vector.shape_cast %get3A_691 : vector<64x1x64xf32> to vector<64x64xf32>
    %broadcast_in_dim3A_693 = vector.shape_cast %ne3A_682 : vector<64x1xi1> to vector<64x1xi1>
    %broadcast_in_dim3A_694 = vector.broadcast %broadcast_in_dim3A_693 : vector<64x1xi1> to vector<64x64xi1>
    %select_n3A_695 = arith.select %broadcast_in_dim3A_694, %get3A_687, %get3A_692 : vector<64x64xi1>, vector<64x64xf32>
    %get3A_696 = arith.constant 25 : index
    %get3A_697 = arith.constant 0 : index
    %get3A_698 = arith.constant 0 : index
    %get3A_699 = vector.load %arg4[%get3A_696, %get3A_697, %get3A_698] : memref<32x64x64xf32, #tpu.memory_space<vmem>>, vector<1x64x64xf32>
    %get3A_700 = vector.shape_cast %get3A_699 : vector<1x64x64xf32> to vector<64x64xf32>
    %dot_general3A_701 = arith.constant dense<0.000000e+00> : vector<64x64xf32>
    %dot_general3A_702 = tpu.matmul %select_n3A_695, %get3A_700, %dot_general3A_701 {dimension_numbers = #tpu.dot_dimension_numbers<[1], [0], [0], [1], [0, 0, 1, 1], [], []>, transpose_lhs_hint = false} : vector<64x64xf32>, vector<64x64xf32>, vector<64x64xf32> -> vector<64x64xf32>
    %add3A_703 = arith.addf %add3A_676, %dot_general3A_702 : vector<64x64xf32>
    %get3A_704 = arith.constant 0 : index
    %get3A_705 = arith.constant 26 : index
    %get3A_706 = vector.load %arg2[%get3A_704, %get3A_705] : memref<64x32xi32, #tpu.memory_space<vmem>>, vector<64x1xi32>
    %ne3A_707 = arith.constant 0 : i32
    %ne3A_708 = vector.broadcast %ne3A_707 : i32 to vector<64x1xi32>
    %ne3A_709 = arith.cmpi ne, %get3A_706, %ne3A_708 : vector<64x1xi32>
    %get3A_710 = arith.constant 0 : index
    %get3A_711 = arith.constant 26 : index
    %get3A_712 = arith.constant 64 : index
    %get3A_713 = vector.load %arg1[%get3A_710, %get3A_711, %get3A_712] : memref<64x32x128xf32, #tpu.memory_space<vmem>>, vector<64x1x64xf32>
    %get3A_714 = vector.shape_cast %get3A_713 : vector<64x1x64xf32> to vector<64x64xf32>
    %get3A_715 = arith.constant 0 : index
    %get3A_716 = arith.constant 26 : index
    %get3A_717 = arith.constant 0 : index
    %get3A_718 = vector.load %arg1[%get3A_715, %get3A_716, %get3A_717] : memref<64x32x128xf32, #tpu.memory_space<vmem>>, vector<64x1x64xf32>
    %get3A_719 = vector.shape_cast %get3A_718 : vector<64x1x64xf32> to vector<64x64xf32>
    %broadcast_in_dim3A_720 = vector.shape_cast %ne3A_709 : vector<64x1xi1> to vector<64x1xi1>
    %broadcast_in_dim3A_721 = vector.broadcast %broadcast_in_dim3A_720 : vector<64x1xi1> to vector<64x64xi1>
    %select_n3A_722 = arith.select %broadcast_in_dim3A_721, %get3A_714, %get3A_719 : vector<64x64xi1>, vector<64x64xf32>
    %get3A_723 = arith.constant 26 : index
    %get3A_724 = arith.constant 0 : index
    %get3A_725 = arith.constant 0 : index
    %get3A_726 = vector.load %arg4[%get3A_723, %get3A_724, %get3A_725] : memref<32x64x64xf32, #tpu.memory_space<vmem>>, vector<1x64x64xf32>
    %get3A_727 = vector.shape_cast %get3A_726 : vector<1x64x64xf32> to vector<64x64xf32>
    %dot_general3A_728 = arith.constant dense<0.000000e+00> : vector<64x64xf32>
    %dot_general3A_729 = tpu.matmul %select_n3A_722, %get3A_727, %dot_general3A_728 {dimension_numbers = #tpu.dot_dimension_numbers<[1], [0], [0], [1], [0, 0, 1, 1], [], []>, transpose_lhs_hint = false} : vector<64x64xf32>, vector<64x64xf32>, vector<64x64xf32> -> vector<64x64xf32>
    %add3A_730 = arith.addf %add3A_703, %dot_general3A_729 : vector<64x64xf32>
    %get3A_731 = arith.constant 0 : index
    %get3A_732 = arith.constant 27 : index
    %get3A_733 = vector.load %arg2[%get3A_731, %get3A_732] : memref<64x32xi32, #tpu.memory_space<vmem>>, vector<64x1xi32>
    %ne3A_734 = arith.constant 0 : i32
    %ne3A_735 = vector.broadcast %ne3A_734 : i32 to vector<64x1xi32>
    %ne3A_736 = arith.cmpi ne, %get3A_733, %ne3A_735 : vector<64x1xi32>
    %get3A_737 = arith.constant 0 : index
    %get3A_738 = arith.constant 27 : index
    %get3A_739 = arith.constant 64 : index
    %get3A_740 = vector.load %arg1[%get3A_737, %get3A_738, %get3A_739] : memref<64x32x128xf32, #tpu.memory_space<vmem>>, vector<64x1x64xf32>
    %get3A_741 = vector.shape_cast %get3A_740 : vector<64x1x64xf32> to vector<64x64xf32>
    %get3A_742 = arith.constant 0 : index
    %get3A_743 = arith.constant 27 : index
    %get3A_744 = arith.constant 0 : index
    %get3A_745 = vector.load %arg1[%get3A_742, %get3A_743, %get3A_744] : memref<64x32x128xf32, #tpu.memory_space<vmem>>, vector<64x1x64xf32>
    %get3A_746 = vector.shape_cast %get3A_745 : vector<64x1x64xf32> to vector<64x64xf32>
    %broadcast_in_dim3A_747 = vector.shape_cast %ne3A_736 : vector<64x1xi1> to vector<64x1xi1>
    %broadcast_in_dim3A_748 = vector.broadcast %broadcast_in_dim3A_747 : vector<64x1xi1> to vector<64x64xi1>
    %select_n3A_749 = arith.select %broadcast_in_dim3A_748, %get3A_741, %get3A_746 : vector<64x64xi1>, vector<64x64xf32>
    %get3A_750 = arith.constant 27 : index
    %get3A_751 = arith.constant 0 : index
    %get3A_752 = arith.constant 0 : index
    %get3A_753 = vector.load %arg4[%get3A_750, %get3A_751, %get3A_752] : memref<32x64x64xf32, #tpu.memory_space<vmem>>, vector<1x64x64xf32>
    %get3A_754 = vector.shape_cast %get3A_753 : vector<1x64x64xf32> to vector<64x64xf32>
    %dot_general3A_755 = arith.constant dense<0.000000e+00> : vector<64x64xf32>
    %dot_general3A_756 = tpu.matmul %select_n3A_749, %get3A_754, %dot_general3A_755 {dimension_numbers = #tpu.dot_dimension_numbers<[1], [0], [0], [1], [0, 0, 1, 1], [], []>, transpose_lhs_hint = false} : vector<64x64xf32>, vector<64x64xf32>, vector<64x64xf32> -> vector<64x64xf32>
    %add3A_757 = arith.addf %add3A_730, %dot_general3A_756 : vector<64x64xf32>
    %get3A_758 = arith.constant 0 : index
    %get3A_759 = arith.constant 28 : index
    %get3A_760 = vector.load %arg2[%get3A_758, %get3A_759] : memref<64x32xi32, #tpu.memory_space<vmem>>, vector<64x1xi32>
    %ne3A_761 = arith.constant 0 : i32
    %ne3A_762 = vector.broadcast %ne3A_761 : i32 to vector<64x1xi32>
    %ne3A_763 = arith.cmpi ne, %get3A_760, %ne3A_762 : vector<64x1xi32>
    %get3A_764 = arith.constant 0 : index
    %get3A_765 = arith.constant 28 : index
    %get3A_766 = arith.constant 64 : index
    %get3A_767 = vector.load %arg1[%get3A_764, %get3A_765, %get3A_766] : memref<64x32x128xf32, #tpu.memory_space<vmem>>, vector<64x1x64xf32>
    %get3A_768 = vector.shape_cast %get3A_767 : vector<64x1x64xf32> to vector<64x64xf32>
    %get3A_769 = arith.constant 0 : index
    %get3A_770 = arith.constant 28 : index
    %get3A_771 = arith.constant 0 : index
    %get3A_772 = vector.load %arg1[%get3A_769, %get3A_770, %get3A_771] : memref<64x32x128xf32, #tpu.memory_space<vmem>>, vector<64x1x64xf32>
    %get3A_773 = vector.shape_cast %get3A_772 : vector<64x1x64xf32> to vector<64x64xf32>
    %broadcast_in_dim3A_774 = vector.shape_cast %ne3A_763 : vector<64x1xi1> to vector<64x1xi1>
    %broadcast_in_dim3A_775 = vector.broadcast %broadcast_in_dim3A_774 : vector<64x1xi1> to vector<64x64xi1>
    %select_n3A_776 = arith.select %broadcast_in_dim3A_775, %get3A_768, %get3A_773 : vector<64x64xi1>, vector<64x64xf32>
    %get3A_777 = arith.constant 28 : index
    %get3A_778 = arith.constant 0 : index
    %get3A_779 = arith.constant 0 : index
    %get3A_780 = vector.load %arg4[%get3A_777, %get3A_778, %get3A_779] : memref<32x64x64xf32, #tpu.memory_space<vmem>>, vector<1x64x64xf32>
    %get3A_781 = vector.shape_cast %get3A_780 : vector<1x64x64xf32> to vector<64x64xf32>
    %dot_general3A_782 = arith.constant dense<0.000000e+00> : vector<64x64xf32>
    %dot_general3A_783 = tpu.matmul %select_n3A_776, %get3A_781, %dot_general3A_782 {dimension_numbers = #tpu.dot_dimension_numbers<[1], [0], [0], [1], [0, 0, 1, 1], [], []>, transpose_lhs_hint = false} : vector<64x64xf32>, vector<64x64xf32>, vector<64x64xf32> -> vector<64x64xf32>
    %add3A_784 = arith.addf %add3A_757, %dot_general3A_783 : vector<64x64xf32>
    %get3A_785 = arith.constant 0 : index
    %get3A_786 = arith.constant 29 : index
    %get3A_787 = vector.load %arg2[%get3A_785, %get3A_786] : memref<64x32xi32, #tpu.memory_space<vmem>>, vector<64x1xi32>
    %ne3A_788 = arith.constant 0 : i32
    %ne3A_789 = vector.broadcast %ne3A_788 : i32 to vector<64x1xi32>
    %ne3A_790 = arith.cmpi ne, %get3A_787, %ne3A_789 : vector<64x1xi32>
    %get3A_791 = arith.constant 0 : index
    %get3A_792 = arith.constant 29 : index
    %get3A_793 = arith.constant 64 : index
    %get3A_794 = vector.load %arg1[%get3A_791, %get3A_792, %get3A_793] : memref<64x32x128xf32, #tpu.memory_space<vmem>>, vector<64x1x64xf32>
    %get3A_795 = vector.shape_cast %get3A_794 : vector<64x1x64xf32> to vector<64x64xf32>
    %get3A_796 = arith.constant 0 : index
    %get3A_797 = arith.constant 29 : index
    %get3A_798 = arith.constant 0 : index
    %get3A_799 = vector.load %arg1[%get3A_796, %get3A_797, %get3A_798] : memref<64x32x128xf32, #tpu.memory_space<vmem>>, vector<64x1x64xf32>
    %get3A_800 = vector.shape_cast %get3A_799 : vector<64x1x64xf32> to vector<64x64xf32>
    %broadcast_in_dim3A_801 = vector.shape_cast %ne3A_790 : vector<64x1xi1> to vector<64x1xi1>
    %broadcast_in_dim3A_802 = vector.broadcast %broadcast_in_dim3A_801 : vector<64x1xi1> to vector<64x64xi1>
    %select_n3A_803 = arith.select %broadcast_in_dim3A_802, %get3A_795, %get3A_800 : vector<64x64xi1>, vector<64x64xf32>
    %get3A_804 = arith.constant 29 : index
    %get3A_805 = arith.constant 0 : index
    %get3A_806 = arith.constant 0 : index
    %get3A_807 = vector.load %arg4[%get3A_804, %get3A_805, %get3A_806] : memref<32x64x64xf32, #tpu.memory_space<vmem>>, vector<1x64x64xf32>
    %get3A_808 = vector.shape_cast %get3A_807 : vector<1x64x64xf32> to vector<64x64xf32>
    %dot_general3A_809 = arith.constant dense<0.000000e+00> : vector<64x64xf32>
    %dot_general3A_810 = tpu.matmul %select_n3A_803, %get3A_808, %dot_general3A_809 {dimension_numbers = #tpu.dot_dimension_numbers<[1], [0], [0], [1], [0, 0, 1, 1], [], []>, transpose_lhs_hint = false} : vector<64x64xf32>, vector<64x64xf32>, vector<64x64xf32> -> vector<64x64xf32>
    %add3A_811 = arith.addf %add3A_784, %dot_general3A_810 : vector<64x64xf32>
    %get3A_812 = arith.constant 0 : index
    %get3A_813 = arith.constant 30 : index
    %get3A_814 = vector.load %arg2[%get3A_812, %get3A_813] : memref<64x32xi32, #tpu.memory_space<vmem>>, vector<64x1xi32>
    %ne3A_815 = arith.constant 0 : i32
    %ne3A_816 = vector.broadcast %ne3A_815 : i32 to vector<64x1xi32>
    %ne3A_817 = arith.cmpi ne, %get3A_814, %ne3A_816 : vector<64x1xi32>
    %get3A_818 = arith.constant 0 : index
    %get3A_819 = arith.constant 30 : index
    %get3A_820 = arith.constant 64 : index
    %get3A_821 = vector.load %arg1[%get3A_818, %get3A_819, %get3A_820] : memref<64x32x128xf32, #tpu.memory_space<vmem>>, vector<64x1x64xf32>
    %get3A_822 = vector.shape_cast %get3A_821 : vector<64x1x64xf32> to vector<64x64xf32>
    %get3A_823 = arith.constant 0 : index
    %get3A_824 = arith.constant 30 : index
    %get3A_825 = arith.constant 0 : index
    %get3A_826 = vector.load %arg1[%get3A_823, %get3A_824, %get3A_825] : memref<64x32x128xf32, #tpu.memory_space<vmem>>, vector<64x1x64xf32>
    %get3A_827 = vector.shape_cast %get3A_826 : vector<64x1x64xf32> to vector<64x64xf32>
    %broadcast_in_dim3A_828 = vector.shape_cast %ne3A_817 : vector<64x1xi1> to vector<64x1xi1>
    %broadcast_in_dim3A_829 = vector.broadcast %broadcast_in_dim3A_828 : vector<64x1xi1> to vector<64x64xi1>
    %select_n3A_830 = arith.select %broadcast_in_dim3A_829, %get3A_822, %get3A_827 : vector<64x64xi1>, vector<64x64xf32>
    %get3A_831 = arith.constant 30 : index
    %get3A_832 = arith.constant 0 : index
    %get3A_833 = arith.constant 0 : index
    %get3A_834 = vector.load %arg4[%get3A_831, %get3A_832, %get3A_833] : memref<32x64x64xf32, #tpu.memory_space<vmem>>, vector<1x64x64xf32>
    %get3A_835 = vector.shape_cast %get3A_834 : vector<1x64x64xf32> to vector<64x64xf32>
    %dot_general3A_836 = arith.constant dense<0.000000e+00> : vector<64x64xf32>
    %dot_general3A_837 = tpu.matmul %select_n3A_830, %get3A_835, %dot_general3A_836 {dimension_numbers = #tpu.dot_dimension_numbers<[1], [0], [0], [1], [0, 0, 1, 1], [], []>, transpose_lhs_hint = false} : vector<64x64xf32>, vector<64x64xf32>, vector<64x64xf32> -> vector<64x64xf32>
    %add3A_838 = arith.addf %add3A_811, %dot_general3A_837 : vector<64x64xf32>
    %get3A_839 = arith.constant 0 : index
    %get3A_840 = arith.constant 31 : index
    %get3A_841 = vector.load %arg2[%get3A_839, %get3A_840] : memref<64x32xi32, #tpu.memory_space<vmem>>, vector<64x1xi32>
    %ne3A_842 = arith.constant 0 : i32
    %ne3A_843 = vector.broadcast %ne3A_842 : i32 to vector<64x1xi32>
    %ne3A_844 = arith.cmpi ne, %get3A_841, %ne3A_843 : vector<64x1xi32>
    %get3A_845 = arith.constant 0 : index
    %get3A_846 = arith.constant 31 : index
    %get3A_847 = arith.constant 64 : index
    %get3A_848 = vector.load %arg1[%get3A_845, %get3A_846, %get3A_847] : memref<64x32x128xf32, #tpu.memory_space<vmem>>, vector<64x1x64xf32>
    %get3A_849 = vector.shape_cast %get3A_848 : vector<64x1x64xf32> to vector<64x64xf32>
    %get3A_850 = arith.constant 0 : index
    %get3A_851 = arith.constant 31 : index
    %get3A_852 = arith.constant 0 : index
    %get3A_853 = vector.load %arg1[%get3A_850, %get3A_851, %get3A_852] : memref<64x32x128xf32, #tpu.memory_space<vmem>>, vector<64x1x64xf32>
    %get3A_854 = vector.shape_cast %get3A_853 : vector<64x1x64xf32> to vector<64x64xf32>
    %broadcast_in_dim3A_855 = vector.shape_cast %ne3A_844 : vector<64x1xi1> to vector<64x1xi1>
    %broadcast_in_dim3A_856 = vector.broadcast %broadcast_in_dim3A_855 : vector<64x1xi1> to vector<64x64xi1>
    %select_n3A_857 = arith.select %broadcast_in_dim3A_856, %get3A_849, %get3A_854 : vector<64x64xi1>, vector<64x64xf32>
    %get3A_858 = arith.constant 31 : index
    %get3A_859 = arith.constant 0 : index
    %get3A_860 = arith.constant 0 : index
    %get3A_861 = vector.load %arg4[%get3A_858, %get3A_859, %get3A_860] : memref<32x64x64xf32, #tpu.memory_space<vmem>>, vector<1x64x64xf32>
    %get3A_862 = vector.shape_cast %get3A_861 : vector<1x64x64xf32> to vector<64x64xf32>
    %dot_general3A_863 = arith.constant dense<0.000000e+00> : vector<64x64xf32>
    %dot_general3A_864 = tpu.matmul %select_n3A_857, %get3A_862, %dot_general3A_863 {dimension_numbers = #tpu.dot_dimension_numbers<[1], [0], [0], [1], [0, 0, 1, 1], [], []>, transpose_lhs_hint = false} : vector<64x64xf32>, vector<64x64xf32>, vector<64x64xf32> -> vector<64x64xf32>
    %add3A_865 = arith.addf %add3A_838, %dot_general3A_864 : vector<64x64xf32>
    %get3A_866 = arith.constant 0 : index
    %get3A_867 = arith.constant 0 : index
    %get3A_868 = vector.load %arg5[%get3A_866, %get3A_867] : memref<1x64xf32, #tpu.memory_space<vmem>>, vector<1x64xf32>
    %add3A_869 = vector.broadcast %get3A_868 : vector<1x64xf32> to vector<64x64xf32>
    %add3A_870 = arith.addf %add3A_865, %add3A_869 : vector<64x64xf32>
    %max3A = arith.constant 0.000000e+00 : f32
    %max3A_871 = vector.broadcast %max3A : f32 to vector<64x64xf32>
    %max3A_872 = arith.maximumf %add3A_870, %max3A_871 : vector<64x64xf32>
    %swap3A = arith.constant 0 : index
    %swap3A_873 = arith.constant 0 : index
    %swap3A_874 = vector.load %arg6[%swap3A, %swap3A_873] : memref<64x64xf32, #tpu.memory_space<vmem>>, vector<64x64xf32>
    tpu.vector_store %arg6[%swap3A, %swap3A_873], %max3A_872 {strides = array<i32>} : memref<64x64xf32, #tpu.memory_space<vmem>>, vector<64x64xf32>,
    return
  }
}

</mosaic_0001>

<sc_bundles>
// kernel: kernel.5.cloned.1.call-start
scs
__scs_entry_jumppad:
0x0: {  	(pc) =	sbr.rel $0x88, $3  }
0x1: {  	(tag) =	ssettag $0x0;
	lr =	simm.s32 $0x1  }
0x2: {  	[smem:$0x3F97] =	sst lr;
	_ =	strace $0xD0000000  }
0x3: {  	_ = 	snop  }
0x4: {  	_ = 	snop  }
0x5: {  	_ = 	snop  }
0x6: {  	_ = 	snop  }
0x7: {  	_ = 	snop  }
__scs_overlays_trampoline_lowered:
0x8: {  	[smem:$0x3FA6] =	sst s0  }
0x9: {  	[smem:$0x3FA7] =	sst s1  }
0xa: {  	[smem:$0x3FA8] =	sst s2  }
0xb: {  	[smem:$0x3FA9] =	sst s3  }
0xc: {  	[smem:$0x3FAA] =	sst s4  }
0xd: {  	[smem:$0x3FAB] =	sst s5  }
0xe: {  	[smem:$0x3FAC] =	sst s6  }
0xf: {  	[smem:$0x3FAD] =	sst s7  }
0x10: {  	[smem:$0x3FAE] =	sst s8  }
0x11: {  	[smem:$0x3FAF] =	sst s9;
	s0 =	simm.s32 @!p0 $0x0  }
0x12: {  	s1 =	sld [smem:$0x3F95];
	s0 =	simm.s32 @p0 $0x1  }
0x13: {  	[smem:$0x3FB0] =	sst s0;
	s0 =	simm.s32 @!p1 $0x0  }
0x14: {  	s2 =	sld [smem:$0x3F94];
	s0 =	simm.s32 @p1 $0x1  }
0x15: {  	[smem:$0x3FB1] =	sst s0;
	s0 =	simm.s32 @!p2 $0x0  }
0x16: {  	s3 =	sld [smem:$0x3FDB];
	s0 =	simm.s32 @p2 $0x1  }
0x17: {  	s4 =	simm.s32 $0x1BF5;
	[smem:$0x3FB3] =	sst s0  }
0x18: {  	s0 =	sld [smem:$0x3F96];
	_ =	swait.ge [sflag:s4], $0x0  }
0x19: {  	s7 =	sld [smem:$0x3F97]  }
0x1a: {  	s8 =	sadd.s32 $0xFFFFE003, lr  }
0x1b: {  	s9 =	sadd.s32 $0xFFFFFEF7, lr;
	s5 =	simm.s32 $0xFFFFFFFF;
	p2 =	slt.u32 s8, $0xFFFFF086  }
0x1c: {  	p1 =	slt.u32 s9, $0xF7A;
	s5 =	simm.s32 @!p2 $0x0  }
0x1d: {  	s5 =	simm.s32 @p1 $0x1;
	p0 =	seq.s32 s7, s2  }
0x1e: {  	s7 =	smul.u32 @!p0 $0xF7A, s2;
	p2 =	seq.s32 @!p0 s5, $0x0  }
0x1f: {  	s9 =	smul.u32 $0xF7A, s1;
	s8 =	simm.s32 @!p0 $0x1BF5;
	p2 =	por !p2, p0  }
0x20: {  	[sflag:s8] =	ssyncset.s32 @!p0 $0xFFFFF086;
	s6 =	sadd.s32 @!p0 s3, s7;
	s7 =	simm.s32 @!p0 $0x108  }
0x21: {  	s3 =	sadd.s32 s3, s9;
	s6 =	sadd.s32 @!p0 $0x88, s6;
	s7 =	simm.s32 @p2 $0x1082  }
0x22: {  	[simem:s7], [sflag:s8] =	dma.local @!p0 [hbm:s6], $0xF7A  }
0x23: {  	s9 =	sor.u32 $0xD0000000, s2;
	s6 =	simm.s32 $0x108;
	_ =	swait.ge @!p0 [sflag:s8], $0x0  }
0x24: {  	s3 =	sadd.s32 $0x88, s3;
	s6 =	simm.s32 @!p1 $0x1082;
	[sflag:s4] =	ssyncset.s32 $0xFFFFF086  }
0x25: {  	[simem:s6], [sflag:s4] =	dma.local [hbm:s3], $0xF7A  }
0x26: {  	[smem:$0x3F97] =	sst s1;
	(tag) =	ssettag s2;
	_ =	strace s9  }
0x27: {  	s1 =	sld [smem:$0x3FA7]  }
0x28: {  	s2 =	sld [smem:$0x3FA8]  }
0x29: {  	s4 =	sld [smem:$0x3FAA]  }
0x2a: {  	p0 =	seq.s32 s5, $0x0;
	s5 =	sld [smem:$0x3FAB]  }
0x2b: {  	s6 =	sld [smem:$0x3FAC]  }
0x2c: {  	s7 =	sld [smem:$0x3FAD]  }
0x2d: {  	s3 =	simm.s32 $0x108;
	s8 =	sld [smem:$0x3FAE]  }
0x2e: {  	s3 =	simm.s32 @!p0 $0x1082;
	s9 =	sld [smem:$0x3FAF]  }
0x2f: {  	lr =	sadd.s32 s0, s3;
	s0 =	sld [smem:$0x3FA6]  }
0x30: {  	s3 =	sld [smem:$0x3FA9]  }
0x31: {  	[smem:$0x3FB2] =	sst s10  }
0x32: {  	s10 =	sld [smem:$0x3FB0];
	_ =	sdelay $0x3  }
0x33: {  	p0 =	seq.s32 s10, $0x1;
	s10 =	sld [smem:$0x3FB2];
	_ =	sdelay $0x3  }
0x34: {  	[smem:$0x3FB2] =	sst s10  }
0x35: {  	s10 =	sld [smem:$0x3FB1];
	_ =	sdelay $0x3  }
0x36: {  	p1 =	seq.s32 s10, $0x1;
	s10 =	sld [smem:$0x3FB2];
	_ =	sdelay $0x3  }
0x37: {  	[smem:$0x3FB2] =	sst s10  }
0x38: {  	s10 =	sld [smem:$0x3FB3]  }
0x39: {  	_ = 	snop;
	(pc) =	sbr.ind lr, $3  }
0x3a: {  	_ = 	snop  }
0x3b: {  	_ = 	snop  }
0x3c: {  	p2 =	seq.s32 s10, $0x1;
	s10 =	sld [smem:$0x3FB2]  }
0x3d: {  	_ =	shalt  }
0x3e: {  	_ =	shalt  }
0x3f: {  	_ =	shalt  }
0x40: {  	_ =	shalt  }
0x41: {  	_ =	shalt  }
0x42: {  	_ =	shalt  }
0x43: {  	_ =	shalt  }
0x44: {  	_ =	shalt  }
0x45: {  	_ =	shalt  }
0x46: {  	_ =	shalt  }
0x47: {  	_ =	shalt  }
0x48: {  	_ =	shalt  }
0x49: {  	_ =	shalt  }
0x4a: {  	_ =	shalt  }
0x4b: {  	_ =	shalt  }
0x4c: {  	_ =	shalt  }
0x4d: {  	_ =	shalt  }
0x4e: {  	_ =	shalt  }
0x4f: {  	_ =	shalt  }
0x50: {  	_ =	shalt  }
0x51: {  	_ =	shalt  }
0x52: {  	_ =	shalt  }
0x53: {  	_ =	shalt  }
0x54: {  	_ =	shalt  }
0x55: {  	_ =	shalt  }
0x56: {  	_ =	shalt  }
0x57: {  	_ =	shalt  }
0x58: {  	_ =	shalt  }
0x59: {  	_ =	shalt  }
0x5a: {  	_ =	shalt  }
0x5b: {  	_ =	shalt  }
0x5c: {  	_ =	shalt  }
0x5d: {  	_ =	shalt  }
0x5e: {  	_ =	shalt  }
0x5f: {  	_ =	shalt  }
0x60: {  	_ =	shalt  }
0x61: {  	_ =	shalt  }
0x62: {  	_ =	shalt  }
0x63: {  	_ =	shalt  }
0x64: {  	_ =	shalt  }
0x65: {  	_ =	shalt  }
0x66: {  	_ =	shalt  }
0x67: {  	_ =	shalt  }
0x68: {  	_ =	shalt  }
0x69: {  	_ =	shalt  }
0x6a: {  	_ =	shalt  }
0x6b: {  	_ =	shalt  }
0x6c: {  	_ =	shalt  }
0x6d: {  	_ =	shalt  }
0x6e: {  	_ =	shalt  }
0x6f: {  	_ =	shalt  }
0x70: {  	_ =	shalt  }
0x71: {  	_ =	shalt  }
0x72: {  	_ =	shalt  }
0x73: {  	_ =	shalt  }
0x74: {  	_ =	shalt  }
0x75: {  	_ =	shalt  }
0x76: {  	_ =	shalt  }
0x77: {  	_ =	shalt  }
0x78: {  	_ =	shalt  }
0x79: {  	_ =	shalt  }
0x7a: {  	_ =	shalt  }
0x7b: {  	_ =	shalt  }
0x7c: {  	_ =	shalt  }
0x7d: {  	_ =	shalt  }
0x7e: {  	_ =	shalt  }
0x7f: {  	_ =	shalt  }
0x80: {  	_ =	shalt  }
0x81: {  	_ =	shalt  }
0x82: {  	_ =	shalt  }
0x83: {  	_ =	shalt  }
0x84: {  	_ =	shalt  }
0x85: {  	_ =	shalt  }
0x86: {  	_ =	shalt  }
0x87: {  	_ =	shalt  }
.Lfunc_end0:
.L_simem_size_0:
called_computation.1_lowered:
.L_overlay_start_0:
0x88: {  	s2 =	sld [smem:$0x3FD9]  }
0x89: {  	s3 =	sld [smem:$0x3FFE];
	_ =	sdelay $0x1  }
0x8a: {  	s1 =	srdreg.scid  }
0x8b: {  	s0 =	sand.u32 $0x1, s1  }
0x8c: {  	s14 =	sshll.u32 s0, $0xA;
	s2 =	sadd.s32 s3, s2  }
0x8d: {  	s2 =	sadd.s32 s2, s14  }
0x8e: {  	[smem:$0x3FBE] =	sst s2  }
0x8f: {  	_ = 	snop  }
0x90: {  	s2 =	sld [smem:$0x3FD0];
	_ =	sdelay $0x2  }
0x91: {  	s15 =	simm.s32 $0xA;
	s4 =	simm.s32 $0x10  }
0x92: {  	[smem:s4], [sflag:s15] =	dma.local [hbm:s2], $0x1  }
0x93: {  	_ =	swait.eq [sflag:s15], $0x1  }
0x94: {  	[sflag:s15] =	ssyncset.done $0x0  }
0x95: {  	[sflag:s15] =	ssyncadd.s32 $0xFFFFFFFF  }
0x96: {  	s16 =	sld [smem:$0x10];
	(tm) =	ssettm $0x1  }
0x97: {  	s17 =	sld [smem:$0x3FFB];
	_ =	sdelay $0x3  }
0x98: {  	_ =	strace s17  }
0x99: {  	s3 =	sld [smem:$0x3FFC];
	_ =	sdelay $0x3  }
0x9a: {  	_ =	strace s3  }
0x9b: {  	s3 =	sld [smem:$0x3FFD];
	_ =	sdelay $0x3  }
0x9c: {  	_ =	strace s3  }
0x9d: {  	_ =	strace $0x8FFFFFFF  }
0x9e: {  	s18 =	sld [smem:$0x3FDB];
	_ =	sdelay $0x1  }
0x9f: {  	s19 =	simm.s32 $_scs_section_size  }
0xa0: {  	s5 =	simm.s32 $_size__tile_overlayer_lowered;
	s6 =	simm.s32 $_tile_overlayer_lowered  }
0xa1: {  	s22 =	simm.s32 $0x1BFF;
	s21 =	sshll.u32 s6, $0x1;
	s3 =	sadd.s32 s19, s18  }
0xa2: {  	s7 =	simm.s32 $0x0;
	s20 =	sshll.u32 s5, $0x1;
	s5 =	sadd.s32 s21, s3  }
0xa3: {  	[timem:s7], [sflag:s22] =	dma.local [hbm:s5], s20  }
0xa4: {  	_ =	swait.ge [sflag:s22], s20  }
0xa5: {  	s4 =	ssub.s32 $0x0, s20;
	[sflag:s22] =	ssyncset.done $0x0  }
0xa6: {  	[sflag:s22] =	ssyncadd.s32 s4;
	_ =	sdelay $0x1  }
0xa7: {  	s23 =	simm.s32 $0x1B8B  }
0xa8: {  	_ =	swait.ge [sflag:s23], $0x1  }
0xa9: {  	[sflag:s23] =	ssyncset.done $0x0  }
0xaa: {  	s25 =	simm.s32 $0x1B8E;
	s24 =	sld [smem:$0x3FFE];
	[sflag:s23] =	ssyncadd.s32 $0xFFFFFFFF  }
0xab: {  	s26 =	simm.s32 $execute0_lowered;
	[smem:$0x3FD2] =	sst s25  }
0xac: {  	s5 =	sshll.u32 s26, $0x1;
	_ =	strace $0x80000049;
	[dreg:$0x1] =	wrdreg $0xFFFFFFFF  }
0xad: {  	s28 =	simm.s32 $_size_execute0_lowered;
	s3 =	sadd.s32 s3, s5;
	[dreg:$0x0] =	wrdreg $0x0  }
0xae: {  	s5 =	sshll.u32 s28, $0x1;
	[dreg:$0x2] =	wrdreg s3  }
0xaf: {  	[dreg:$0x3] =	wrdreg s5  }
0xb0: {  	[dreg:$0x4] =	wrdreg $0xC0  }
0xb1: {  	_ =	task [dreg:s7], $0x5FFFF  }
0xb2: {  	[dreg:$0x1] =	wrdreg $0xFFFFFFFF  }
0xb3: {  	[dreg:$0x0] =	wrdreg $0x60  }
0xb4: {  	[dreg:$0x2] =	wrdreg s24  }
0xb5: {  	[dreg:$0x3] =	wrdreg s16  }
0xb6: {  	[dreg:$0x4] =	wrdreg $0x9  }
0xb7: {  	_ =	task.clear_ibuf [dreg:s7], $0x5FFFF;
	_ =	strace $0x90000049  }
0xb8: {  	s29 =	simm.s32 $0x9;
	_ =	strace $0x8000004B  }
0xb9: {  	_ =	swait.ge [sflag:s29], $0x1  }
0xba: {  	[sflag:s29] =	ssyncadd.s32 $0xFFFFFFFF  }
0xbb: {  	_ =	strace $0x9000004B  }
0xbc: {  	_ =	sfence  }
0xbd: {  	s30 =	sld [smem:$0x0];
	_ =	sdelay $0x2  }
0xbe: {  	s31 =	sshll.u32 s1, $0xD;
	s1 =	sshrl.u32 s1, $0x2  }
0xbf: {  	s3 =	sand.u32 $0x4000, s31;
	s1 =	sadd.s32 s1, s30  }
0xc0: {  	s0 =	sor.u32 s3, s0;
	s1 =	sshll.u32 s1, $0x11  }
0xc1: {  	s0 =	sor.u32 s1, s0  }
0xc2: {  	s0 =	sadd.s32 $0x8F2B, s0  }
0xc3: {  	[sflag:s0] =	ssyncadd.remote.s32 $0x1  }
0xc4: {  	_ =	sfence.sel $0xFFFF  }
0xc5: {  	[dreg:$0x0] =	wrdreg $0xFFFFFFFF;
	(pc) =	sbr.abs _section_cstart, $3  }
0xc6: {  	[dreg:$0x1] =	wrdreg $0xFFFFFFFF  }
0xc7: {  	_ =	task.clear_ibuf [dreg:s7], $0x2FFFF;
	_ =	strace $0x9FFFFFFF  }
0xc8: {  	(tm) =	ssettm $0x7FFFFFFF  }
0xc9: {  	_ =	shalt  }
tec
execute0_lowered:
.L_overlay_start_1:
0x0: {  	(tag) =	ssettag $0x1  }
0x1: {  	s4 =	rddreg [dreg:$0x0]  }
0x2: {  	s8 =	rddreg [dreg:$0x1]  }
0x3: {  	s0 =	rddreg [dreg:$0x2];
	s1 =	simm.s32 $0x0;
	s3 =	srdreg.scid  }
0x4: {  	s2 =	stileid.u32;
	s16 =	simm.s32 $0x20;
	s17 =	simm.s32 $0x6200  }
0x5: {  	s18 =	simm.s32 $0x1;
	s19 =	simm.s32 $0x0;
	[smem:$0x7FF] =	sst s1  }
0x6: {  	s7 =	sadd.s32 $0x2600, s4;
	s5 =	sand.u32 $0x1, s3;
	s3 =	sadd.s32 $0x602600, s4  }
0x7: {  	s9 =	sshll.u32 s2, $0x1;
	s10 =	sadd.s32 $0x12600, s4;
	s29 =	sshll.u32 s2, $0x6  }
0x8: {  	_ =	strace $0x8000004A;
	s6 =	ssub.s32 $0x2, s5;
	s9 =	sor.u32 s5, s9  }
0x9: {  	s14 =	sand.u32 $0x380, s29;
	s26 =	sshrl.u32 s6, $0x1;
	s28 =	sshll.u32 s9, $0xB  }
0xa: {  	s5 =	sshll.u32 s9, $0xA;
	s12 =	sshll.u32 s9, $0xD;
	s13 =	sshll.u32 s9, $0x5  }
0xb: {  	s9 =	sshllo.u32 s9, $0x1;
	s14 =	sadd.s32 s8, s14;
	s11 =	ssub.s32 s6, s26  }
0xc: {  	s4 =	sadd.s32 s7, s28;
	s5 =	sadd.s32 s10, s5;
	s6 =	sadd.s32 s8, s13  }
.Ltmp0:
0xd: {  	s30 =	sshll.u32 s9, $0xA;
	s15 =	sshll.u32 s9, $0xC;
	(pc) =	sbr.rel .LBB2_1-.Ltmp0, $4  }
0xe: {  	s31 =	sshll.u32 s9, $0x4;
	s9 =	sshll.u32 s9, $0x9;
	v0 =	vmov s12;
	s12 =	simm.s32 $0x2000  }
0xf: {  	s7 =	sadd.s32 s7, s30;
	s13 =	sand.u32 $0x70, s31;
	s8 =	sadd.s32 s10, s9  }
0x10: {  	v2 =	vimm.s32 $0x0;
	v3 =	vlaneseq.u32;
	s10 =	smax.u32 s11, $0x1;
	s11 =	simm.s32 $0x2;
	v1 =	vmov s15;
	s15 =	simm.s32 $0x6180  }
0x11: {  	v4 =	vimm.s32 $0xF;
	v5 =	vimm.f32 $-Inf;
	v6 =	vimm.f32 $0.0e+00;
	s9 =	sadd.s32 s13, s14;
	s13 =	simm.s32 $0x4080;
	s14 =	simm.s32 $0x6100  }
.LBB2_19:
0x12: {  	[tilespmem:s17], [sflag:$0x1] =	stream.indirect.gather [hbm4b:s3+s16], $0x80, s14, s16, $0xb8;
	[tilespmem:$0x7200] =	vst v63  }
0x13: {  	_ =	swait.ge [sflag:s18], $0x1000  }
0x14: {  	[sflag:s18] =	ssyncset.done $0x0  }
0x15: {  	[sflag:s18] =	ssyncadd.s32 $0xFFFFF000  }
0x16: {  	[hbm4b:s8+s1] =	stream.linear.scatter [tilespmem:s17], [sflag:$0x2], $0x1000, $0x38;
	[tilespmem:$0x7200] =	vst v63  }
0x17: {  	s19 =	sadd.s32 $0x1, s19;
	_ =	swait.ge [sflag:s11], $0x1000  }
0x18: {  	p0 =	sne.s32 s19, s10;
	[sflag:s11] =	ssyncset.done $0x0  }
.Ltmp1:
0x19: {  	[sflag:s11] =	ssyncadd.s32 $0xFFFFF000;
	(pc) =	sbr.rel @!p0 .LBB2_20-.Ltmp1, $4  }
0x1a: {  	[hbm4b:s9+s1] =	stream.linear.scatter [tilespmem:s15], [sflag:$0x2], $0x80, $0x38;
	[tilespmem:$0x7200] =	vst v63  }
0x1b: {  	_ =	swait.ge [sflag:s11], $0x80  }
0x1c: {  	[sflag:s11] =	ssyncset.done $0x0  }
0x1d: {  	[sflag:s11] =	ssyncadd.s32 $0xFFFFFF80  }
.LBB2_1:
0x1e: {  	[tilespmem:s1], [sflag:$0x2] =	stream.linear.gather [hbm4b:s4+s1], $0x2000, $0x38;
	[tilespmem:$0x7200] =	vst v63  }
0x1f: {  	_ =	swait.ge [sflag:s11], $0x2000  }
0x20: {  	[sflag:s11] =	ssyncset.done $0x0  }
0x21: {  	s21 =	simm.s32 $0x0;
	[sflag:s11] =	ssyncadd.s32 $0xFFFFE000  }
0x22: {  	s20 =	simm.s32 $0x40;
	v8 =	vimm.f32 $-Inf;
	v9 =	vimm.f32 $-Inf;
	v7 =	vld [tilespmem:s21+$0x0]  }
.LBB2_2:
0x23: {  	_ = 	snop  }
0x24: {  	p0 =	sne.s32 s20, $0x7FC0  }
.Ltmp2:
0x25: {  	_ = 	snop;
	(pc) =	sbr.rel @p0 .LBB2_2-.Ltmp2, $4  }
0x26: {  	_ = 	snop  }
0x27: {  	s21 =	smov.u32 s20;
	vm0 =	vgt.f32 v7, v8  }
0x28: {  	s21 =	sshra.s32 s21, $0x2;
	v10 =	vsel vm0, v8, v7  }
0x29: {  	s20 =	sadd.s32 $0x40, s20;
	v8 =	vsel vm0, v7, v8;
	v7 =	vld [tilespmem:s21+$0x0];
	v9 =	vmax.f32 v9, v10  }
0x2a: {  	_ =	sdelay $0x3  }
0x2b: {  	vm0 =	vgt.f32 v7, v8  }
0x2c: {  	v7 =	vsel vm0, v8, v7  }
0x2d: {  	v7 =	vmax.f32 v9, v7  }
0x2e: {  	(xrf1) =	vsort.ascd.msk.f32 $0xffff, v7, v7;
	_ =	sdelay $0xd  }
0x2f: {  	s20 =	simm.s32 $0x0;
	v7 =	vimm.s32 $0x0;
	v8, _, _ =	vpop (xrf1)  }
0x30: {  	v9 =	vperm.xlane v8, v7;
	v8 =	vld [tilespmem:s20+$0x0]  }
0x31: {  	s21 =	simm.s32 $0x10;
	s22 =	simm.s32 $0x0  }
.LBB2_4:
0x32: {  	p0 =	sne.s32 s21, $0x1FF0;
	_ =	sdelay $0x2  }
0x33: {  	vm0 =	vge.f32 v8, v9  }
0x34: {  	v10 =	vsel vm0, $0x1, v2  }
0x35: {  	(xrf0) =	vadd.scan.msk.s32 $0xffff, v10;
	_ =	sdelay $0x5  }
0x36: {  	v10, _, _ =	vpop (xrf0)  }
0x37: {  	v11 =	vadd.s32 v10, v7;
	v10 =	vperm.xlane v10, v4  }
0x38: {  	v11 =	vadd.s32 $0xFFFFFFFF, v11  }
0x39: {  	v11 =	vnsel vm0, $0x0, v11;
	v7 =	vadd.s32 v7, v10;
	_ =	sdelay $0x3  }
.Ltmp3:
0x3a: {  	(pc) =	sbr.rel @p0 .LBB2_4-.Ltmp3, $4  }
0x3b: {  	[tilespmem:v11+s12+$0x0] =	vst.idx.msk vm0, v8;
	v8 =	vor.u32 s20, v3;
	s20 =	smov.u32 s21  }
0x3c: {  	s22 =	sadd.s32 $0x10, s22;
	[tilespmem:v11+s13+$0x0] =	vst.idx.msk vm0, v8  }
0x3d: {  	v8 =	vld [tilespmem:s22+$0x0]  }
0x3e: {  	s21 =	sadd.s32 $0x10, s21  }
0x3f: {  	_ =	sdelay $0x2  }
0x40: {  	vm0 =	vge.f32 v8, v9  }
0x41: {  	v9 =	vsel vm0, $0x1, v2  }
0x42: {  	(xrf0) =	vadd.scan.msk.s32 $0xffff, v9;
	_ =	sdelay $0x5  }
0x43: {  	v9, _, _ =	vpop (xrf0)  }
0x44: {  	v10 =	vadd.s32 v9, v7  }
0x45: {  	v9 =	vperm.xlane v9, v4;
	v10 =	vadd.s32 $0xFFFFFFFF, v10  }
0x46: {  	v10 =	vnsel vm0, $0x0, v10  }
0x47: {  	v7 =	vadd.s32 v7, v9  }
0x48: {  	v9 =	vadd.s32 v3, v7  }
.Ltmp4:
0x49: {  	_ = 	snop;
	(pc) =	sbr.rel .LBB2_6-.Ltmp4, $4  }
0x4a: {  	_ = 	snop  }
0x4b: {  	[tilespmem:v10+s12+$0x0] =	vst.idx.msk vm0, v8;
	v8 =	vor.u32 s20, v3  }
0x4c: {  	[tilespmem:v10+s13+$0x0] =	vst.idx.msk vm0, v8  }
0x4d: {  	s20 =	simm.s32 $0x0;
	[tilespmem:v9+s12+$0x0] =	vst.idx.msk $0xffff, v5  }
.LBB2_9:
0x4e: {  	(xrf1) =	vsort.ascd.msk.f32 $0xffff, v10, v10;
	_ =	sdelay $0xd  }
0x4f: {  	v11, _, _ =	vpop (xrf1)  }
0x50: {  	v11 =	vperm.xlane v11, v4;
	_ =	sdelay $0x1  }
0x51: {  	vm0 =	veq.f32 v10, v11  }
0x52: {  	v9 =	vnsel vm0, $0x7FFFFFFF, v9  }
0x53: {  	v61 =	vxor.u32 $0x80000000, v9  }
0x54: {  	(xrf1) =	vsort.ascd.msk.u32 $0xffff, v61, v9;
	_ =	sdelay $0xd  }
0x55: {  	v10, _, _ =	vpop (xrf1)  }
0x56: {  	v10 =	vxor.u32 $0x80000000, v10  }
0x57: {  	v10 =	vperm.xlane v10, v2;
	_ =	sdelay $0x1  }
0x58: {  	vm0 =	veq.s32 v9, v10;
	_ =	sdelay $0x1  }
0x59: {  	v62 =	vmov s20;
	s20 =	sadd.s32 $0x1, s20  }
0x5a: {  	p0 =	sne.s32 s20, $0x20  }
.Ltmp5:
0x5b: {  	_ = 	snop;
	(pc) =	sbr.rel @!p0 .LBB2_10-.Ltmp5, $4  }
0x5c: {  	v63 =	vand.u32 $0xFFF, v10  }
0x5d: {  	[tilespmem:v8+s12+$0x0] =	vst.idx.msk vm0, v5;
	v8 =	vor.u32 v0, v63  }
0x5e: {  	[tilespmem:v62+s14+$0x0] =	vst.idx.msk $0x1, v8;
	v8 =	vshrl.u32 v10, $0xC  }
0x5f: {  	[tilespmem:v62+s15+$0x0] =	vst.idx.msk $0x1, v8  }
.LBB2_6:
0x60: {  	v8 =	vimm.s32 $0x0;
	v9 =	vimm.s32 $0x7FFFFFFF;
	v10 =	vimm.f32 $-Inf;
	s21 =	simm.s32 $0x2000;
	s22 =	simm.s32 $0x4080;
	s23 =	simm.s32 $0x0  }
.LBB2_7:
0x61: {  	v11 =	vmov s23  }
0x62: {  	vm0 =	vlt.s32 v11, v7  }
0x63: {  	v12 =	vsel vm0, $0x3F800000, v6  }
0x64: {  	(xrf0) =	vmax.scan.msk.f32 $0xffff, v12;
	_ =	sdelay $0x5  }
0x65: {  	v12, _, _ =	vpop (xrf0)  }
0x66: {  	(v2sf) =	vpush v12, $0xF;
	_ =	sdelay $0xe  }
0x67: {  	s24 =	spop (v2sf)  }
0x68: {  	p0 =	sgt.f32 s24, $0.0e+00  }
.Ltmp6:
0x69: {  	_ = 	snop;
	(pc) =	sbr.rel @!p0 .LBB2_9-.Ltmp6, $1  }
0x6a: {  	_ =	sdelay $0x3  }
0x6b: {  	v12 =	vld [tilespmem:s21+$0x0]  }
0x6c: {  	v13 =	vld [tilespmem:s22+$0x0];
	_ =	sdelay $0x3  }
.Ltmp7:
0x6d: {  	_ = 	snop;
	(pc) =	sbr.rel .LBB2_7-.Ltmp7, $4  }
0x6e: {  	vm0 =	veq.f32 v12, v10;
	vm1 =	vlt.s32 v13, v9  }
0x6f: {  	vm2 =	vgt.f32 v12, v10;
	vm0 =	vmand vm0, vm1  }
0x70: {  	v11 =	vor.u32 v3, v11;
	vm0 =	vmor vm2, vm0  }
0x71: {  	s21 =	sadd.s32 $0x10, s21;
	s22 =	sadd.s32 $0x10, s22;
	s23 =	sadd.s32 $0x10, s23;
	v10 =	vsel vm0, v12, v10;
	v9 =	vsel vm0, v13, v9;
	v8 =	vsel vm0, v11, v8  }
.LBB2_10:
0x72: {  	[tilespmem:s17], [sflag:$0x1] =	stream.indirect.gather [hbm4b:s3+s16], $0x80, s14, s16, $0xb8;
	[tilespmem:$0x7200] =	vst v63  }
0x73: {  	_ =	swait.ge [sflag:s18], $0x1000  }
0x74: {  	[sflag:s18] =	ssyncset.done $0x0  }
0x75: {  	s20 =	simm.s32 $0x0;
	[sflag:s18] =	ssyncadd.s32 $0xFFFFF000  }
0x76: {  	[hbm4b:s5+s20] =	stream.linear.scatter [tilespmem:s17], [sflag:$0x2], $0x1000, $0x38;
	[tilespmem:$0x7200] =	vst v63  }
0x77: {  	_ =	swait.ge [sflag:s11], $0x1000  }
0x78: {  	[sflag:s11] =	ssyncset.done $0x0  }
0x79: {  	[sflag:s11] =	ssyncadd.s32 $0xFFFFF000  }
0x7a: {  	[hbm4b:s6+s20] =	stream.linear.scatter [tilespmem:s15], [sflag:$0x2], $0x80, $0x38;
	[tilespmem:$0x7200] =	vst v63  }
0x7b: {  	_ =	swait.ge [sflag:s11], $0x80  }
0x7c: {  	[sflag:s11] =	ssyncset.done $0x0  }
0x7d: {  	[sflag:s11] =	ssyncadd.s32 $0xFFFFFF80  }
0x7e: {  	[tilespmem:s20], [sflag:$0x2] =	stream.linear.gather [hbm4b:s7+s20], $0x2000, $0x38;
	[tilespmem:$0x7200] =	vst v63  }
0x7f: {  	_ =	swait.ge [sflag:s11], $0x2000  }
0x80: {  	[sflag:s11] =	ssyncset.done $0x0  }
0x81: {  	s21 =	simm.s32 $0x0;
	[sflag:s11] =	ssyncadd.s32 $0xFFFFE000  }
0x82: {  	v7 =	vimm.f32 $-Inf;
	v8 =	vimm.f32 $-Inf;
	s20 =	simm.s32 $0x40;
	v9 =	vld [tilespmem:s21+$0x0]  }
.LBB2_11:
0x83: {  	_ = 	snop  }
0x84: {  	p0 =	sne.s32 s20, $0x7FC0  }
.Ltmp8:
0x85: {  	_ = 	snop;
	(pc) =	sbr.rel @p0 .LBB2_11-.Ltmp8, $4  }
0x86: {  	_ = 	snop  }
0x87: {  	s21 =	smov.u32 s20;
	vm0 =	vgt.f32 v9, v7  }
0x88: {  	s21 =	sshra.s32 s21, $0x2;
	v10 =	vsel vm0, v7, v9  }
0x89: {  	s20 =	sadd.s32 $0x40, s20;
	v7 =	vsel vm0, v9, v7;
	v9 =	vld [tilespmem:s21+$0x0];
	v8 =	vmax.f32 v8, v10  }
0x8a: {  	_ =	sdelay $0x3  }
0x8b: {  	vm0 =	vgt.f32 v9, v7  }
0x8c: {  	v7 =	vsel vm0, v7, v9  }
0x8d: {  	v7 =	vmax.f32 v8, v7  }
0x8e: {  	(xrf1) =	vsort.ascd.msk.f32 $0xffff, v7, v7;
	_ =	sdelay $0xd  }
0x8f: {  	s20 =	simm.s32 $0x0;
	v7 =	vimm.s32 $0x0;
	v8, _, _ =	vpop (xrf1)  }
0x90: {  	v9 =	vperm.xlane v8, v7;
	v8 =	vld [tilespmem:s20+$0x0]  }
0x91: {  	s21 =	simm.s32 $0x10;
	s22 =	simm.s32 $0x0  }
.LBB2_13:
0x92: {  	p0 =	sne.s32 s21, $0x1FF0;
	_ =	sdelay $0x2  }
0x93: {  	vm0 =	vge.f32 v8, v9  }
0x94: {  	v10 =	vsel vm0, $0x1, v2  }
0x95: {  	(xrf0) =	vadd.scan.msk.s32 $0xffff, v10;
	_ =	sdelay $0x5  }
0x96: {  	v10, _, _ =	vpop (xrf0)  }
0x97: {  	v11 =	vadd.s32 v10, v7;
	v10 =	vperm.xlane v10, v4  }
0x98: {  	v11 =	vadd.s32 $0xFFFFFFFF, v11  }
0x99: {  	v11 =	vnsel vm0, $0x0, v11;
	v7 =	vadd.s32 v7, v10;
	_ =	sdelay $0x3  }
.Ltmp9:
0x9a: {  	(pc) =	sbr.rel @p0 .LBB2_13-.Ltmp9, $4  }
0x9b: {  	[tilespmem:v11+s12+$0x0] =	vst.idx.msk vm0, v8;
	v8 =	vor.u32 s20, v3;
	s20 =	smov.u32 s21  }
0x9c: {  	s22 =	sadd.s32 $0x10, s22;
	[tilespmem:v11+s13+$0x0] =	vst.idx.msk vm0, v8  }
0x9d: {  	v8 =	vld [tilespmem:s22+$0x0]  }
0x9e: {  	s21 =	sadd.s32 $0x10, s21  }
0x9f: {  	_ =	sdelay $0x2  }
0xa0: {  	vm0 =	vge.f32 v8, v9  }
0xa1: {  	v9 =	vsel vm0, $0x1, v2  }
0xa2: {  	(xrf0) =	vadd.scan.msk.s32 $0xffff, v9;
	_ =	sdelay $0x5  }
0xa3: {  	v9, _, _ =	vpop (xrf0)  }
0xa4: {  	v10 =	vadd.s32 v9, v7  }
0xa5: {  	v9 =	vperm.xlane v9, v4;
	v10 =	vadd.s32 $0xFFFFFFFF, v10  }
0xa6: {  	v10 =	vnsel vm0, $0x0, v10  }
0xa7: {  	v7 =	vadd.s32 v7, v9  }
0xa8: {  	v9 =	vadd.s32 v3, v7  }
.Ltmp10:
0xa9: {  	_ = 	snop;
	(pc) =	sbr.rel .LBB2_15-.Ltmp10, $4  }
0xaa: {  	_ = 	snop  }
0xab: {  	[tilespmem:v10+s12+$0x0] =	vst.idx.msk vm0, v8;
	v8 =	vor.u32 s20, v3  }
0xac: {  	[tilespmem:v10+s13+$0x0] =	vst.idx.msk vm0, v8  }
0xad: {  	s20 =	simm.s32 $0x0;
	[tilespmem:v9+s12+$0x0] =	vst.idx.msk $0xffff, v5  }
.LBB2_18:
0xae: {  	(xrf1) =	vsort.ascd.msk.f32 $0xffff, v10, v10;
	_ =	sdelay $0xd  }
0xaf: {  	v11, _, _ =	vpop (xrf1)  }
0xb0: {  	v11 =	vperm.xlane v11, v4;
	_ =	sdelay $0x1  }
0xb1: {  	vm0 =	veq.f32 v10, v11  }
0xb2: {  	v9 =	vnsel vm0, $0x7FFFFFFF, v9  }
0xb3: {  	v61 =	vxor.u32 $0x80000000, v9  }
0xb4: {  	(xrf1) =	vsort.ascd.msk.u32 $0xffff, v61, v9;
	_ =	sdelay $0xd  }
0xb5: {  	v10, _, _ =	vpop (xrf1)  }
0xb6: {  	v10 =	vxor.u32 $0x80000000, v10  }
0xb7: {  	v10 =	vperm.xlane v10, v2;
	_ =	sdelay $0x1  }
0xb8: {  	vm0 =	veq.s32 v9, v10;
	_ =	sdelay $0x1  }
0xb9: {  	v62 =	vmov s20;
	s20 =	sadd.s32 $0x1, s20  }
0xba: {  	p0 =	sne.s32 s20, $0x20  }
.Ltmp11:
0xbb: {  	_ = 	snop;
	(pc) =	sbr.rel @!p0 .LBB2_19-.Ltmp11, $4  }
0xbc: {  	v63 =	vand.u32 $0xFFF, v10  }
0xbd: {  	[tilespmem:v8+s12+$0x0] =	vst.idx.msk vm0, v5;
	v8 =	vor.u32 v1, v63  }
0xbe: {  	[tilespmem:v62+s14+$0x0] =	vst.idx.msk $0x1, v8;
	v8 =	vshrl.u32 v10, $0xC  }
0xbf: {  	[tilespmem:v62+s15+$0x0] =	vst.idx.msk $0x1, v8  }
.LBB2_15:
0xc0: {  	v8 =	vimm.s32 $0x0;
	v9 =	vimm.s32 $0x7FFFFFFF;
	v10 =	vimm.f32 $-Inf;
	s21 =	simm.s32 $0x2000;
	s22 =	simm.s32 $0x4080;
	s23 =	simm.s32 $0x0  }
.LBB2_16:
0xc1: {  	v11 =	vmov s23  }
0xc2: {  	vm0 =	vlt.s32 v11, v7  }
0xc3: {  	v12 =	vsel vm0, $0x3F800000, v6  }
0xc4: {  	(xrf0) =	vmax.scan.msk.f32 $0xffff, v12;
	_ =	sdelay $0x5  }
0xc5: {  	v12, _, _ =	vpop (xrf0)  }
0xc6: {  	(v2sf) =	vpush v12, $0xF;
	_ =	sdelay $0xe  }
0xc7: {  	s24 =	spop (v2sf)  }
0xc8: {  	p0 =	sgt.f32 s24, $0.0e+00  }
.Ltmp12:
0xc9: {  	_ = 	snop;
	(pc) =	sbr.rel @!p0 .LBB2_18-.Ltmp12, $1  }
0xca: {  	_ =	sdelay $0x3  }
0xcb: {  	v12 =	vld [tilespmem:s21+$0x0]  }
0xcc: {  	v13 =	vld [tilespmem:s22+$0x0];
	_ =	sdelay $0x3  }
.Ltmp13:
0xcd: {  	_ = 	snop;
	(pc) =	sbr.rel .LBB2_16-.Ltmp13, $4  }
0xce: {  	vm0 =	veq.f32 v12, v10;
	vm1 =	vlt.s32 v13, v9  }
0xcf: {  	vm2 =	vgt.f32 v12, v10;
	vm0 =	vmand vm0, vm1  }
0xd0: {  	v11 =	vor.u32 v3, v11;
	vm0 =	vmor vm2, vm0  }
0xd1: {  	s21 =	sadd.s32 $0x10, s21;
	s22 =	sadd.s32 $0x10, s22;
	s23 =	sadd.s32 $0x10, s23;
	v10 =	vsel vm0, v12, v10;
	v9 =	vsel vm0, v13, v9;
	v8 =	vsel vm0, v11, v8  }
.LBB2_20:
0xd2: {  	_ =	sfence.sel $0x180000  }
0xd3: {  	[bflag:$0x0] =	sbarrier.arrive $0xFFFF  }
0xd4: {  	p0 =	sne.s32 s2, $0x0;
	_ =	strace $0x9000004A  }
0xd5: {  	s0 =	sadd.s32 @!p0 $0x100000, s0;
	[bflag:$0x2] =	sbarrier.arrive $0xFFFF  }
0xd6: {  	[sflag:s0] =	ssyncadd.tile.s32 @!p0 $0x1;
	_ =	shalt  }
.Lfunc_end2:
_tile_overlayer_lowered:
.L_overlay_start_2:
0xd7: {  	(tag) =	ssettag $0x2  }
0xd8: {  	s0 =	rddreg [dreg:$0x0];
	s2 =	stileid.u32  }
0xd9: {  	s1 =	rddreg [dreg:$0x1];
	p0 =	sne.s32 s2, $0x0  }
0xda: {  	s3 =	rddreg [dreg:$0x2];
	[bflag:$0x3] =	sbarrier.arrive $0xFFFF;
	s2 =	simm.s32 @!p0 $0x1C02  }
0xdb: {  	[timem:s3], [sflag:s2] =	dma.local @!p0 [hbm:s0], s1  }
0xdc: {  	s0 =	simm.s32 @!p0 $0x2  }
0xdd: {  	_ =	swait.ge @!p0 [sflag:s0], s1  }
0xde: {  	s1 =	ssub.s32 @!p0 $0x0, s1;
	[sflag:s0] =	ssyncset.done @!p0 $0x0  }
0xdf: {  	[sflag:s0] =	ssyncadd.s32 @!p0 s1  }
0xe0: {  	[bflag:$0x3] =	sbarrier.arrive $0xFFFF  }
0xe1: {  	_ =	shalt  }

// kernel: sparse-core-data-format-call.cloned.1.call-start
scs
called_computation_lowered:
.L_overlay_start_0:
0x0: {  	s1 =	sld [smem:$0x3FD9]  }
0x1: {  	s2 =	sld [smem:$0x3FFE];
	_ =	sdelay $0x1  }
0x2: {  	s3 =	srdreg.scid  }
0x3: {  	s0 =	sand.u32 $0x1, s3  }
0x4: {  	s17 =	sshll.u32 s0, $0xA;
	s1 =	sadd.s32 s2, s1  }
0x5: {  	s1 =	sadd.s32 s1, s17  }
0x6: {  	[smem:$0x3FBE] =	sst s1  }
0x7: {  	_ = 	snop  }
0x8: {  	(tm) =	ssettm $0x1  }
0x9: {  	s18 =	sld [smem:$0x3FFB];
	_ =	sdelay $0x3  }
0xa: {  	_ =	strace s18  }
0xb: {  	s1 =	sld [smem:$0x3FFC];
	_ =	sdelay $0x3  }
0xc: {  	_ =	strace s1  }
0xd: {  	s1 =	sld [smem:$0x3FFD];
	_ =	sdelay $0x3  }
0xe: {  	_ =	strace s1  }
0xf: {  	_ =	strace $0x8FFFFFFF  }
0x10: {  	s19 =	sld [smem:$0x3FDB];
	_ =	sdelay $0x1  }
0x11: {  	s20 =	simm.s32 $_scs_section_size  }
0x12: {  	s4 =	simm.s32 $_size__tile_overlayer_lowered;
	s5 =	simm.s32 $_tile_overlayer_lowered  }
0x13: {  	s23 =	simm.s32 $0x1BFF;
	s22 =	sshll.u32 s5, $0x1;
	s1 =	sadd.s32 s20, s19  }
0x14: {  	s6 =	simm.s32 $0x0;
	s21 =	sshll.u32 s4, $0x1;
	s4 =	sadd.s32 s22, s1  }
0x15: {  	[timem:s6], [sflag:s23] =	dma.local [hbm:s4], s21  }
0x16: {  	_ =	swait.ge [sflag:s23], s21  }
0x17: {  	s2 =	ssub.s32 $0x0, s21;
	[sflag:s23] =	ssyncset.done $0x0  }
0x18: {  	[sflag:s23] =	ssyncadd.s32 s2;
	_ =	sdelay $0x1  }
0x19: {  	s24 =	simm.s32 $0x1B8B  }
0x1a: {  	_ =	swait.ge [sflag:s24], $0x1  }
0x1b: {  	[sflag:s24] =	ssyncset.done $0x0  }
0x1c: {  	s26 =	simm.s32 $0x1B8E;
	s25 =	sld [smem:$0x3FFE];
	[sflag:s24] =	ssyncadd.s32 $0xFFFFFFFF  }
0x1d: {  	s27 =	simm.s32 $execute0_lowered;
	[smem:$0x3FD2] =	sst s26  }
0x1e: {  	s4 =	sshll.u32 s27, $0x1;
	_ =	strace $0x80000046;
	[dreg:$0x1] =	wrdreg $0xFFFFFFFF  }
0x1f: {  	s28 =	simm.s32 $_size_execute0_lowered;
	s1 =	sadd.s32 s1, s4;
	[dreg:$0x0] =	wrdreg $0x0  }
0x20: {  	s4 =	sshll.u32 s28, $0x1;
	[dreg:$0x2] =	wrdreg s1  }
0x21: {  	[dreg:$0x3] =	wrdreg s4  }
0x22: {  	[dreg:$0x4] =	wrdreg $0xC0  }
0x23: {  	_ =	task [dreg:s6], $0x5FFFF  }
0x24: {  	[dreg:$0x1] =	wrdreg $0xFFFFFFFF  }
0x25: {  	[dreg:$0x0] =	wrdreg $0x60  }
0x26: {  	[dreg:$0x2] =	wrdreg s25  }
0x27: {  	[dreg:$0x3] =	wrdreg $0x9  }
0x28: {  	_ =	task.clear_ibuf [dreg:s6], $0x4FFFF;
	_ =	strace $0x90000046  }
0x29: {  	s29 =	simm.s32 $0x9;
	_ =	strace $0x80000048  }
0x2a: {  	_ =	swait.ge [sflag:s29], $0x1  }
0x2b: {  	[sflag:s29] =	ssyncadd.s32 $0xFFFFFFFF  }
0x2c: {  	_ =	strace $0x90000048  }
0x2d: {  	_ =	sfence  }
0x2e: {  	s30 =	sld [smem:$0x0];
	_ =	sdelay $0x2  }
0x2f: {  	s31 =	sshll.u32 s3, $0xD;
	s3 =	sshrl.u32 s3, $0x2  }
0x30: {  	s2 =	sand.u32 $0x4000, s31;
	s1 =	sadd.s32 s3, s30  }
0x31: {  	s0 =	sor.u32 s2, s0;
	s1 =	sshll.u32 s1, $0x11  }
0x32: {  	s0 =	sor.u32 s1, s0  }
0x33: {  	s0 =	sadd.s32 $0x8F2B, s0  }
0x34: {  	[sflag:s0] =	ssyncadd.remote.s32 $0x1  }
0x35: {  	_ =	sfence.sel $0xFFFF  }
0x36: {  	[dreg:$0x0] =	wrdreg $0xFFFFFFFF;
	(pc) =	sbr.abs _section_cstart, $3  }
0x37: {  	[dreg:$0x1] =	wrdreg $0xFFFFFFFF  }
0x38: {  	_ =	task.clear_ibuf [dreg:s6], $0x2FFFF;
	_ =	strace $0x9FFFFFFF  }
0x39: {  	(tm) =	ssettm $0x7FFFFFFF  }
tec
execute0_lowered:
.L_overlay_start_1:
0x0: {  	(tag) =	ssettag $0x1  }
0x1: {  	s1 =	rddreg [dreg:$0x0]  }
0x2: {  	s2 =	srdreg.scid;
	_ =	strace $0x80000047;
	s5 =	simm.s32 $0x1  }
0x3: {  	s9 =	simm.s32 $0x2;
	s17 =	simm.s32 $0x0;
	s14 =	simm.s32 $0x0  }
0x4: {  	s15 =	simm.s32 $0x0;
	s16 =	simm.s32 $0x0;
	s10 =	simm.s32 $0x0  }
0x5: {  	s11 =	simm.s32 $0x0;
	s13 =	stileid.u32;
	s2 =	sand.u32 $0x1, s2  }
.Ltmp0:
0x6: {  	s3 =	sadd.s32 $0x2600, s1;
	s6 =	ssub.s32 $0x4, s2;
	(pc) =	sbr.rel .LBB1_1-.Ltmp0, $4  }
0x7: {  	s4 =	sadd.s32 $0x202600, s1;
	[sflag:s5] =	ssyncpa.u1 $0x0;
	s7 =	sshrl.u32 s6, $0x1  }
0x8: {  	s1 =	stileid.u32;
	[sflag:s9] =	ssyncpa.u1 $0x0;
	s8 =	sadd.s32 s2, s7  }
0x9: {  	s12 =	smov.u32 s2;
	s6 =	ssub.s32 s6, s7;
	s31 =	sshll.u32 s8, $0x4  }
0xa: {  	s9 =	simm.s32 $0x0;
	s6 =	sshll.u32 s6, $0x4;
	s7 =	ssub.s32 $0x42, s31  }
.LBB1_7:
0xb: {  	s0 =	sadd.s32 $0x200, s10  }
0xc: {  	s8 =	sadd.s32 $0x40, s11;
	s18 =	smov.u32 s11;
	p1 =	sgt.s32 s0, $0x1FFF  }
0xd: {  	s18 =	smov.u32 @p1 s8  }
0xe: {  	s19 =	smov.u32 s12;
	s8 =	sadd.s32 $0x2, s12;
	p2 =	sgt.s32 s18, $0x3F  }
0xf: {  	s19 =	smov.u32 @p2 s8  }
0x10: {  	s20 =	smov.u32 s13;
	s8 =	sadd.s32 $0x10, s13;
	p3 =	sgt.s32 s19, $0x3  }
0x11: {  	p0 =	slt.u32 s9, $0x2;
	s20 =	smov.u32 @p3 s8  }
0x12: {  	s9 =	sadd.s32 $0x1, s9;
	s0 =	simm.s32 @p1 $0x0;
	p1 =	sgt.s32 s20, $0xF  }
0x13: {  	s20 =	smov.u32 @p1 s1;
	p1 =	sne.s32 s9, s7  }
.Ltmp1:
0x14: {  	s17 =	smov.u32 s10;
	s14 =	smov.u32 s11;
	(pc) =	sbr.rel @!p1 .LBB1_8-.Ltmp1, $4  }
0x15: {  	s15 =	smov.u32 s12;
	s16 =	smov.u32 s13;
	s8 =	simm.s32 @!p0 $0x2  }
0x16: {  	s10 =	smov.u32 s0;
	s18 =	simm.s32 @p2 $0x0;
	_ =	swait.ge @!p0 [sflag:s8], $0x4000  }
0x17: {  	s11 =	smov.u32 s18;
	s19 =	smov.u32 @p3 s2;
	[sflag:s8] =	ssyncset.done @!p0 $0x0  }
0x18: {  	s12 =	smov.u32 s19;
	[sflag:s8] =	ssyncadd.s32 @!p0 $0xFFFFC000;
	s13 =	smov.u32 s20  }
.LBB1_1:
0x19: {  	p0 =	sge.u32 s9, s6;
	s31 =	sadd.s32 $0xFFFFFFFF, s9  }
0x1a: {  	s18 =	sshll.u32 @!p0 s11, $0xD;
	s19 =	sshll.u32 @!p0 s10, $0x3;
	s20 =	sshll.u32 @!p0 s11, $0x7  }
0x1b: {  	s21 =	sshll.u32 @!p0 s10, $0x1;
	s20 =	sand.u32 @!p0 $0x300, s20;
	s22 =	sand.u32 @!p0 $0x1C00, s19  }
0x1c: {  	s18 =	sand.u32 @!p0 $0x70000, s18;
	s21 =	sand.u32 @!p0 $0xF0, s21;
	s20 =	sor.u32 @!p0 s20, s22  }
0x1d: {  	s18 =	sadd.s32 @!p0 s18, s19;
	s19 =	sor.u32 @!p0 s21, s20;
	s20 =	sshll.u32 @!p0 s13, $0x11  }
0x1e: {  	s21 =	sshll.u32 @!p0 s12, $0xF;
	s18 =	sshrl.u32 @!p0 s18, $0x4;
	s20 =	sadd.s32 @!p0 s3, s20  }
0x1f: {  	s22 =	sxor.u32 @!p0 $0xFFFFFFFF, s9;
	s18 =	sand.u32 @!p0 $0x7E00, s18;
	s20 =	sadd.s32 @!p0 s21, s20  }
0x20: {  	s19 =	sshrl.u32 @!p0 s19, $0x4;
	s18 =	sadd.s32 @!p0 s18, s20;
	s20 =	sand.u32 @!p0 $0x7, s10  }
0x21: {  	s18 =	sadd.s32 @!p0 s19, s18;
	s19 =	sshll.u32 @!p0 s22, $0xE;
	s20 =	sshll.u32 @!p0 s20, $0x12  }
0x22: {  	s21 =	simm.s32 @!p0 $0x8000;
	s19 =	sand.u32 @!p0 $0x4000, s19;
	s20 =	sor.u32 @!p0 $0x800, s20  }
0x23: {  	[tilespmem:s19], [sflag:$0x1] =	stream.strided.gather @!p0 [hbm4b:s18+s20], $0x4000, s21, s20, $0x38;
	[tilespmem:$0x10200] =	vst v63  }
0x24: {  	p0 =	sge.u32 s31, s6  }
.Ltmp2:
0x25: {  	_ = 	snop;
	(pc) =	sbr.rel @p0 .LBB1_7-.Ltmp2, $1  }
0x26: {  	_ =	sdelay $0x3  }
0x27: {  	s18 =	sand.u32 $0x1, s9  }
0x28: {  	_ =	swait.ge [sflag:s5], $0x4000;
	s19 =	smul.u32 $0x10400, s18  }
0x29: {  	[sflag:s5] =	ssyncset.done $0x0  }
0x2a: {  	[sflag:s5] =	ssyncadd.s32 $0xFFFFC000;
	s20 =	sshrl.u32 s19, $0x2  }
0x2b: {  	s19 =	sshll.u32 s18, $0xE;
	s18 =	sor.u32 $0x8000, s20;
	s20 =	simm.s32 $0x0  }
.LBB1_3:
0x2c: {  	s21 =	sshll.u32 s20, $0x9  }
0x2d: {  	s22 =	sshll.u32 s20, $0x7;
	s23 =	sshll.u32 s20, $0x6;
	s30 =	sshll.u32 s20, $0x1  }
0x2e: {  	s31 =	sand.u32 $0x1E, s20;
	s24 =	sand.u32 $0x3FFFFFE0, s20;
	s26 =	sshrl.u32 s20, $0x5  }
0x2f: {  	p0 =	por $0x1, $0x1;
	s29 =	simm.s32 $0x0;
	s21 =	sand.u32 $0x7000, s21  }
0x30: {  	s22 =	sand.u32 $0x300, s22;
	s28 =	sand.u32 $0x80, s23;
	s23 =	sadd.s32 s31, s18  }
0x31: {  	s21 =	sor.u32 s21, s22;
	s25 =	sadd.s32 s28, s19;
	s22 =	sshra.s32 s30, $0x1  }
0x32: {  	s23 =	sadd.s32 s24, s23;
	s24 =	sxor.u32 $0xFFFFFFFF, s26;
	s22 =	sadd.s32 s22, s18;
	v0 =	vmov s25  }
.LBB1_4:
0x33: {  	s25 =	sshll.u32 s29, $0x3  }
0x34: {  	s25 =	sor.u32 s25, s21  }
0x35: {  	s25 =	sshrl.u32 s25, $0x1  }
0x36: {  	s26 =	sand.u32 $0x3D00, s25  }
0x37: {  	v1 =	vld.idx.msk [tilespmem:v0+s26+$0x0 ss:$0x1], $0xffff  }
0x38: {  	v2 =	vld.idx.msk [tilespmem:v0+s26+$0x10 ss:$0x1], $0xffff  }
0x39: {  	s28 =	sor.u32 $0x80, s29;
	v3 =	vld.idx.msk [tilespmem:v0+s26+$0x20 ss:$0x1], $0xffff  }
0x3a: {  	s0 =	sshll.u32 s28, $0x3;
	v4 =	vld.idx.msk [tilespmem:v0+s26+$0x30 ss:$0x1], $0xffff  }
0x3b: {  	s25 =	sor.u32 s21, s0;
	v5 =	vld.idx.msk [tilespmem:v0+s26+$0x40 ss:$0x1], $0xffff  }
0x3c: {  	s30 =	smul.u32 $0x82, s29;
	s27 =	sor.u32 $0xA0, s29;
	s25 =	sshrl.u32 s25, $0x1;
	v6 =	vld.idx.msk [tilespmem:v0+s26+$0x50 ss:$0x1], $0xffff  }
0x3d: {  	s0 =	sshll.u32 s27, $0x3;
	v8 =	vld.idx.msk [tilespmem:v0+s26+$0x60 ss:$0x1], $0xffff;
	s31 =	sand.u32 $0x3F00, s25;
	s25 =	sor.u32 $0xC0, s29  }
0x3e: {  	s8 =	sand.u32 s24, s29;
	s0 =	sand.u32 $0xC00, s0;
	v7 =	vld.idx.msk [tilespmem:v0+s31+$0x0 ss:$0x1], $0xffff;
	s31 =	sshll.u32 s25, $0x3;
	v2 =	vperm.xlane.i2c.b16 v2;
	v1 =	vperm.xlane.i2c.b16 v1  }
0x3f: {  	s8 =	smul.u32 $0x82, s8;
	s0 =	sor.u32 s21, s0;
	s31 =	sand.u32 $0xC00, s31;
	v4 =	vperm.xlane.i2c.b16 v4;
	v3 =	vperm.xlane.i2c.b16 v3  }
0x40: {  	s30 =	sshra.s32 s30, $0x2;
	s0 =	sshrl.u32 s0, $0x1;
	s31 =	sor.u32 s21, s31;
	v9 =	vcombine.low v1, v2;
	v1 =	vcombine.high v1, v2;
	v2 =	vld.idx.msk [tilespmem:v0+s26+$0x70 ss:$0x1], $0xffff  }
0x41: {  	s30 =	sadd.s32 s30, s22;
	v10 =	vld.idx.msk [tilespmem:v0+s26+$0x210 ss:$0x1], $0xffff;
	s0 =	sand.u32 $0x3F00, s0;
	s31 =	sshrl.u32 s31, $0x1;
	v6 =	vperm.xlane.i2c.b16 v6  }
0x42: {  	s8 =	sshra.s32 s8, $0x2;
	s29 =	sor.u32 $0xE0, s29;
	v11 =	vld.idx.msk [tilespmem:v0+s0+$0x20 ss:$0x1], $0xffff;
	v5 =	vperm.xlane.i2c.b16 v5;
	s0 =	sand.u32 $0x3F00, s31;
	v51 =	vcombine.low v3, v4  }
0x43: {  	v54 =	vperm.xlane.i2c.b16 v8;
	s31 =	sshll.u32 s29, $0x3;
	v12 =	vld.idx.msk [tilespmem:v0+s0+$0x40 ss:$0x1], $0xffff;
	s0 =	sadd.s32 s8, s23;
	[tilespmem:s30+$0x0 ss:$0x41] =	vst.msk $0xffff, v9  }
0x44: {  	v53 =	vld.idx.msk [tilespmem:v0+s26+$0x230 ss:$0x1], $0xffff;
	v3 =	vcombine.high v3, v4;
	s31 =	sand.u32 $0xC00, s31;
	v52 =	vcombine.high v5, v6;
	[tilespmem:s0+$0x410 ss:$0x41] =	vst.msk $0xffff, v51  }
0x45: {  	s8 =	sor.u32 s21, s31;
	[tilespmem:s30+$0x1 ss:$0x41] =	vst.msk $0xffff, v1;
	v1 =	vcombine.low v5, v6;
	v2 =	vperm.xlane.i2c.b16 v2  }
0x46: {  	v55 =	vld.idx.msk [tilespmem:v0+s26+$0x250 ss:$0x1], $0xffff;
	v7 =	vperm.xlane.i2c.b16 v7;
	s31 =	smul.u32 $0x82, s28;
	s8 =	sshrl.u32 s8, $0x1;
	[tilespmem:s0+$0x411 ss:$0x41] =	vst.msk $0xffff, v3;
	v3 =	vperm.xlane.i2c.b16 v10  }
0x47: {  	v57 =	vld.idx.msk [tilespmem:v0+s26+$0x270 ss:$0x1], $0xffff;
	s8 =	sand.u32 $0x3F00, s8;
	[tilespmem:s0+$0x820 ss:$0x41] =	vst.msk $0xffff, v1;
	v1 =	vcombine.low v54, v2  }
0x48: {  	v59 =	vperm.xlane.i2c.b16 v11;
	v56 =	vld.idx.msk [tilespmem:v0+s8+$0x60 ss:$0x1], $0xffff;
	s8 =	sshra.s32 s31, $0x2;
	v58 =	vcombine.low v7, v3;
	[tilespmem:s0+$0x821 ss:$0x41] =	vst.msk $0xffff, v52  }
0x49: {  	s28 =	smul.u32 $0x82, s27;
	s30 =	sadd.s32 s8, s22;
	v2 =	vcombine.high v54, v2;
	[tilespmem:s0+$0xC30 ss:$0x41] =	vst.msk $0xffff, v1;
	v1 =	vperm.xlane.i2c.b16 v53  }
0x4a: {  	v3 =	vcombine.high v7, v3;
	v60 =	vperm.xlane.i2c.b16 v12;
	[tilespmem:s30+$0x0 ss:$0x41] =	vst.msk $0xffff, v58  }
0x4b: {  	s25 =	smul.u32 $0x82, s25;
	s31 =	sshra.s32 s28, $0x2;
	[tilespmem:s0+$0xC31 ss:$0x41] =	vst.msk $0xffff, v2;
	v2 =	vperm.xlane.i2c.b16 v55;
	v61 =	vcombine.low v59, v1  }
0x4c: {  	v62 =	vperm.xlane.i2c.b16 v57;
	s8 =	sadd.s32 s31, s22;
	[tilespmem:s30+$0x1 ss:$0x41] =	vst.msk $0xffff, v3;
	v1 =	vcombine.high v59, v1  }
0x4d: {  	p1 =	por p0, p0;
	s26 =	sshra.s32 s25, $0x2;
	s27 =	smul.u32 $0x82, s29;
	v63 =	vperm.xlane.i2c.b16 v56;
	v3 =	vcombine.low v60, v2;
	[tilespmem:s8+$0x0 ss:$0x41] =	vst.msk $0xffff, v61  }
.Ltmp3:
0x4e: {  	s28 =	sadd.s32 s26, s22;
	[tilespmem:s8+$0x1 ss:$0x41] =	vst.msk $0xffff, v1;
	v1 =	vcombine.high v60, v2;
	(pc) =	sbr.rel @p1 .LBB1_4-.Ltmp3, $4  }
0x4f: {  	s30 =	sshra.s32 s27, $0x2;
	[tilespmem:s28+$0x0 ss:$0x41] =	vst.msk $0xffff, v3;
	v2 =	vcombine.low v63, v62  }
0x50: {  	s31 =	sadd.s32 s30, s22;
	[tilespmem:s28+$0x1 ss:$0x41] =	vst.msk $0xffff, v1;
	v1 =	vcombine.high v63, v62  }
0x51: {  	[tilespmem:s31+$0x0 ss:$0x41] =	vst.msk $0xffff, v2  }
0x52: {  	p0 =	por $0x0, $0x0;
	s29 =	simm.s32 $0x100;
	[tilespmem:s31+$0x1 ss:$0x41] =	vst.msk $0xffff, v1  }
0x53: {  	p0 =	slt.u32 s20, $0x3E  }
.Ltmp4:
0x54: {  	_ = 	snop;
	(pc) =	sbr.rel @p0 .LBB1_3-.Ltmp4, $3  }
0x55: {  	_ =	sdelay $0x1  }
0x56: {  	s0 =	sadd.s32 $0x2, s20  }
0x57: {  	s20 =	smov.u32 s0  }
0x58: {  	s0 =	sshll.u32 s17, $0x7  }
0x59: {  	s8 =	sshll.u32 s14, $0x3;
	s25 =	sshll.u32 s14, $0x1;
	s27 =	sshll.u32 s16, $0x12  }
0x5a: {  	s15 =	sshll.u32 s15, $0x10;
	s17 =	sand.u32 $0xFFC00, s0;
	s8 =	sand.u32 $0xFFC00, s8  }
0x5b: {  	s28 =	sshrl.u32 s14, $0x3;
	s0 =	sand.u32 $0x300, s0;
	s8 =	sadd.s32 s8, s17  }
0x5c: {  	s29 =	sand.u32 $0x7, s14;
	s26 =	sand.u32 $0x80, s25;
	s0 =	sor.u32 s0, s8  }
.Ltmp5:
0x5d: {  	s8 =	sadd.s32 s4, s27;
	s0 =	sor.u32 s26, s0;
	(pc) =	sbr.rel .LBB1_7-.Ltmp5, $4  }
0x5e: {  	s16 =	sand.u32 $0x7, s28;
	s8 =	sadd.s32 s15, s8;
	s0 =	sshrl.u32 s0, $0x4  }
0x5f: {  	s14 =	sshll.u32 s29, $0x12;
	s8 =	sadd.s32 s16, s8;
	s0 =	sand.u32 $0xFFF8, s0  }
0x60: {  	s31 =	simm.s32 $0x80;
	s30 =	sor.u32 $0x40, s14;
	s0 =	sadd.s32 s0, s8  }
0x61: {  	[hbm4b:s0+s30] =	stream.strided.scatter [tilespmem:s18], [sflag:$0x2], $0x4000, s31, s30, $0x18;
	[tilespmem:$0x10200] =	vst v63  }
.LBB1_8:
0x62: {  	_ =	sfence.sel $0x180000  }
0x63: {  	s0 =	simm.s32 $0x1;
	[bflag:$0x0] =	sbarrier.arrive $0xFFFF  }
0x64: {  	s31 =	simm.s32 $0x2;
	[sflag:s0] =	ssyncpa.u1 $0x1  }
0x65: {  	[sflag:s31] =	ssyncpa.u1 $0x1  }
0x66: {  	_ =	strace $0x90000047  }
0x67: {  	[bflag:$0x2] =	sbarrier.arrive $0xFFFF  }
0x68: {  	p0 =	sne.s32 s1, $0x0;
	s0 =	rddreg [dreg:$0x1]  }
0x69: {  	s0 =	sadd.s32 @!p0 $0x100000, s0  }
0x6a: {  	[sflag:s0] =	ssyncadd.tile.s32 @!p0 $0x1;
	_ =	shalt  }
.Lfunc_end1:
_tile_overlayer_lowered:
.L_overlay_start_2:
0x6b: {  	(tag) =	ssettag $0x2  }
0x6c: {  	s0 =	rddreg [dreg:$0x0];
	s2 =	stileid.u32  }
0x6d: {  	s1 =	rddreg [dreg:$0x1];
	p0 =	sne.s32 s2, $0x0  }
0x6e: {  	s3 =	rddreg [dreg:$0x2];
	[bflag:$0x3] =	sbarrier.arrive $0xFFFF;
	s2 =	simm.s32 @!p0 $0x1C01  }
0x6f: {  	[timem:s3], [sflag:s2] =	dma.local @!p0 [hbm:s0], s1  }
0x70: {  	s0 =	simm.s32 @!p0 $0x1  }
0x71: {  	_ =	swait.ge @!p0 [sflag:s0], s1  }
0x72: {  	s1 =	ssub.s32 @!p0 $0x0, s1;
	[sflag:s0] =	ssyncset.done @!p0 $0x0  }
0x73: {  	[sflag:s0] =	ssyncadd.s32 @!p0 s1  }
0x74: {  	[bflag:$0x3] =	sbarrier.arrive $0xFFFF  }
0x75: {  	_ =	shalt  }

</sc_bundles>
